<compile_context>
chip_gen: v7x
topology: tpu7x:2x2x1
jax: 0.10.2.dev20260603
libtpu: 0.0.44.dev20260713+nightly
codegen_flags: <defaults>
</compile_context>

<pallas_src>
import functools
import jax
import jax.numpy as jnp
from jax import lax
from jax.experimental import pallas as pl
from jax.experimental.pallas import tpu as pltpu
from jax.experimental.pallas import tpu_sc as plsc

_N_CAT = 26
_N_CONT = 13
_VOCAB = 100000
_DIM = 32
_B = 16384

_NC = 2
_NS = 16
_NW = _NC * _NS
_V = _VOCAB + 1
_BC = 4096
_NBC = _B // _BC
_L = 16
_FH = _N_CAT // 2


def _gather_chunk(row_v, col_v, ov, c):
    @plsc.parallel_loop(0, _BC, _L, unroll=8)
    def _(i):
        v = col_v[pl.ds(c * _BC + i, _L)].astype(jnp.int32)
        ov[pl.ds(i, _L)] = plsc.load_gather(row_v, [v])


def _emb_body(tabs_hbm, xt_hbm, out_hbm,
              row_v, col_v, o_v0, o_v1, sc_, so0, so1, sr):
    w = lax.axis_index("s") * _NC + lax.axis_index("c")
    g = w // _NS
    k = w % _NS
    f_base = g * _FH
    d0 = 2 * k
    o_v = (o_v0, o_v1)
    so = (so0, so1)

    pltpu.async_copy(xt_hbm.at[f_base], col_v, sc_)
    pltpu.async_copy(tabs_hbm.at[f_base, d0], row_v, sr)

    def per_field(j, carry):
        f = f_base + j
        pltpu.make_async_copy(xt_hbm.at[f], col_v, sc_).wait()
        for dd in range(2):
            pltpu.make_async_copy(tabs_hbm.at[f, d0 + dd], row_v, sr).wait()
            row = f * _DIM + d0 + dd
            out_wait = [None, None]
            for c in range(_NBC):
                p = c % 2
                if out_wait[p] is not None:
                    out_wait[p].wait()
                _gather_chunk(row_v, col_v, o_v[p], c)
                out_wait[p] = pltpu.async_copy(
                    o_v[p], out_hbm.at[row, pl.ds(c * _BC, _BC)], so[p])
            if dd == 0:
                pltpu.async_copy(tabs_hbm.at[f, d0 + 1], row_v, sr)
            else:
                @pl.when(j < _FH - 1)
                def _():
                    pltpu.async_copy(xt_hbm.at[f + 1], col_v, sc_)
                    pltpu.async_copy(tabs_hbm.at[f + 1, d0], row_v, sr)
            out_wait[0].wait()
            out_wait[1].wait()
        return carry

    lax.fori_loop(0, _FH, per_field, 0)


_emb_lookup = functools.partial(
    pl.kernel,
    out_type=jax.ShapeDtypeStruct((_N_CAT * _DIM, _B), jnp.float32),
    mesh=plsc.VectorSubcoreMesh(core_axis_name="c", subcore_axis_name="s"),
    scratch_types=[
        pltpu.VMEM((_V,), jnp.float32),
        pltpu.VMEM((_B,), jnp.float32),
        pltpu.VMEM((_BC,), jnp.float32),
        pltpu.VMEM((_BC,), jnp.float32),
        pltpu.SemaphoreType.DMA,
        pltpu.SemaphoreType.DMA,
        pltpu.SemaphoreType.DMA,
        pltpu.SemaphoreType.DMA,
    ],
    compiler_params=pltpu.CompilerParams(needs_layout_passes=False),
)(_emb_body)


def kernel(X, tables):
    tabs_t = tables.transpose(0, 2, 1)
    xt = X.T
    out_t = _emb_lookup(tabs_t, xt)
    x_emb = out_t.T
    x_cont = X[:, _N_CAT:]
    return (x_emb, x_cont)

# --- scband reference (transcript-rebuilt; emitter-appended) ---
"""Pipeline reference for scband-cat-embeddings-and-cont-33423435497554 (READ-ONLY COPY).

The authoritative reference and input builder live on the scoring server;
editing this copy changes nothing except your own understanding.
"""

import jax, jax.numpy as jnp
import numpy as np

N_CAT = 26
N_CONT = 13
VOCAB = 100000
DIM = 32
B = 16384


def setup_inputs(seed: int = 0) -> dict:
    key = jax.random.key(seed)
    k1, k2 = jax.random.split(key)
    # X holds 26 categorical id columns (as floats, cast to int in forward)
    # followed by 13 continuous columns.
    X = jax.random.randint(k1, (B, N_CAT + N_CONT), 0, VOCAB).astype(jnp.float32)
    # 26 embedding tables of shape (VOCAB+1, DIM), stacked. Row 0 is padding_idx.
    tables = jax.random.normal(k2, (N_CAT, VOCAB + 1, DIM), dtype=jnp.float32) * 0.02
    tables = tables.at[:, 0, :].set(0.0)
    return {"X": X, "tables": tables}


def reference(X, tables):
    # nn.Embedding(val+1, dim, padding_idx=0): row 0 is zero.
    tables_eff = tables.at[:, 0, :].set(0.0)
    idx = X[:, :N_CAT].astype(jnp.int32)
    # per-field lookup: emb[b, f, :] = tables_eff[f][idx[b, f]]
    emb = jax.vmap(lambda t, i: jnp.take(t, i, axis=0), in_axes=(0, 1), out_axes=1)(tables_eff, idx)
    x_emb = emb.reshape(X.shape[0], N_CAT * DIM)
    # embedding_dropout with p=0.0 -> identity (eval semantics)
    x_cont = X[:, N_CAT:N_CAT + N_CONT].astype(jnp.float32)  # cont_norm = Identity
    return (x_emb, x_cont)

if __name__ == "__main__":
    import jax
    _d = setup_inputs()
    print(jax.jit(kernel)(*tuple(_d.values())))

</pallas_src>

<mosaic_0001>
#map = affine_map<(d0, d1) -> (0, 0, 0)>
#map1 = affine_map<(d0, d1) -> (0, 0)>
module attributes {stable_mosaic.version = 14 : i64} {
  func.func @_emb_body(%arg0: i32, %arg1: i32, %arg2: memref<26x32x100001xf32, #tpu.memory_space<hbm>>, %arg3: memref<39x16384xf32, #tpu.memory_space<hbm>>, %arg4: memref<832x16384xf32, #tpu.memory_space<hbm>>, %arg5: memref<100001xf32, #tpu.memory_space<vmem>>, %arg6: memref<16384xf32, #tpu.memory_space<vmem>>, %arg7: memref<4096xf32, #tpu.memory_space<vmem>>, %arg8: memref<4096xf32, #tpu.memory_space<vmem>>, %arg9: memref<!tpu.dma_semaphore, #tpu.memory_space<semaphore_mem>>, %arg10: memref<!tpu.dma_semaphore, #tpu.memory_space<semaphore_mem>>, %arg11: memref<!tpu.dma_semaphore, #tpu.memory_space<semaphore_mem>>, %arg12: memref<!tpu.dma_semaphore, #tpu.memory_space<semaphore_mem>>) attributes {dimension_semantics = [#tpu.dimension_semantics<core_parallel>, #tpu.dimension_semantics<subcore_parallel>], iteration_bounds = array<i64: 2, 16>, scalar_prefetch = 0 : i64, scratch_operands = 8 : i64, tpu.core_type = #tpu.core_type<sc_vector_subcore>, window_params = [{transform_indices = #map}, {transform_indices = #map1}, {transform_indices = #map1}]} {
    %mul3A = arith.constant 2 : i32
    %mul3A_0 = arith.muli %arg1, %mul3A : i32
    %add3A = arith.addi %mul3A_0, %arg0 : i32
    %jit3A = arith.constant 16 : i32
    %div3A = arith.divsi %add3A, %jit3A : i32
    %sign3A = arith.constant 0 : i32
    %sign3A_1 = arith.cmpi sgt, %add3A, %sign3A : i32
    %sign3A_2 = arith.extui %sign3A_1 : i1 to i32
    %sign3A_3 = arith.constant 0 : i32
    %sign3A_4 = arith.cmpi slt, %add3A, %sign3A_3 : i32
    %sign3A_5 = arith.extui %sign3A_4 : i1 to i32
    %sign3A_6 = arith.subi %sign3A_2, %sign3A_5 : i32
    %sign3A_7 = arith.constant 0 : i32
    %sign3A_8 = arith.cmpi sgt, %jit3A, %sign3A_7 : i32
    %sign3A_9 = arith.extui %sign3A_8 : i1 to i32
    %sign3A_10 = arith.constant 0 : i32
    %sign3A_11 = arith.cmpi slt, %jit3A, %sign3A_10 : i32
    %sign3A_12 = arith.extui %sign3A_11 : i1 to i32
    %sign3A_13 = arith.subi %sign3A_9, %sign3A_12 : i32
    %ne3A = arith.cmpi ne, %sign3A_6, %sign3A_13 : i32
    %rem3A = arith.remsi %add3A, %jit3A : i32
    %ne3A_14 = arith.constant 0 : i32
    %ne3A_15 = arith.cmpi ne, %rem3A, %ne3A_14 : i32
    %and3A = arith.andi %ne3A, %ne3A_15 : i1
    %sub3A = arith.constant 1 : i32
    %sub3A_16 = arith.subi %div3A, %sub3A : i32
    %select_n3A = arith.select %and3A, %sub3A_16, %div3A : i32
    %jit3A_17 = arith.constant 16 : i32
    %eq3A = arith.constant 0 : i32
    %eq3A_18 = arith.cmpi eq, %jit3A_17, %eq3A : i32
    %jit3A_19 = arith.constant 1 : i32
    %select_n3A_20 = arith.select %eq3A_18, %jit3A_19, %jit3A_17 : i32
    %rem3A_21 = arith.remsi %add3A, %select_n3A_20 : i32
    %ne3A_22 = arith.constant 0 : i32
    %ne3A_23 = arith.cmpi ne, %rem3A_21, %ne3A_22 : i32
    %lt3A = arith.constant 0 : i32
    %lt3A_24 = arith.cmpi slt, %rem3A_21, %lt3A : i32
    %lt3A_25 = arith.constant 0 : i32
    %lt3A_26 = arith.cmpi slt, %select_n3A_20, %lt3A_25 : i32
    %ne3A_27 = arith.xori %lt3A_24, %lt3A_26 : i1
    %and3A_28 = arith.andi %ne3A_27, %ne3A_23 : i1
    %add3A_29 = arith.addi %rem3A_21, %select_n3A_20 : i32
    %select_n3A_30 = arith.select %and3A_28, %add3A_29, %rem3A_21 : i32
    %mul3A_31 = arith.constant 13 : i32
    %mul3A_32 = arith.muli %select_n3A, %mul3A_31 : i32
    %mul3A_33 = arith.constant 2 : i32
    %mul3A_34 = arith.muli %mul3A_33, %select_n3A_30 : i32
    %dma_start3A = arith.constant 0 : i32
    %dma_start3A_35 = tpu.memref_slice %arg3[%mul3A_32, %dma_start3A] : memref<39x16384xf32, #tpu.memory_space<hbm>> -> memref<1x16384xf32, #tpu.memory_space<hbm>>
    %dma_start3A_36 = tpu.memref_squeeze %dma_start3A_35 : memref<1x16384xf32, #tpu.memory_space<hbm>> -> memref<16384xf32, #tpu.memory_space<hbm>>
    %dma_start3A_37 = arith.constant 0 : i32
    %dma_start3A_38 = tpu.memref_slice %arg3[%mul3A_32, %dma_start3A_37] : memref<39x16384xf32, #tpu.memory_space<hbm>> -> memref<1x16384xf32, #tpu.memory_space<hbm>>
    %dma_start3A_39 = tpu.memref_squeeze %dma_start3A_38 : memref<1x16384xf32, #tpu.memory_space<hbm>> -> memref<16384xf32, #tpu.memory_space<hbm>>
    tpu.enqueue_dma source(%dma_start3A_39 : memref<16384xf32, #tpu.memory_space<hbm>>) target(%arg6 : memref<16384xf32, #tpu.memory_space<vmem>>) target_semaphore(%arg9 : memref<!tpu.dma_semaphore, #tpu.memory_space<semaphore_mem>>)
    %dma_start3A_40 = arith.constant 0 : i32
    %dma_start3A_41 = tpu.memref_slice %arg2[%mul3A_32, %mul3A_34, %dma_start3A_40] : memref<26x32x100001xf32, #tpu.memory_space<hbm>> -> memref<1x1x100001xf32, #tpu.memory_space<hbm>>
    %dma_start3A_42 = tpu.memref_squeeze %dma_start3A_41 : memref<1x1x100001xf32, #tpu.memory_space<hbm>> -> memref<100001xf32, #tpu.memory_space<hbm>>
    %dma_start3A_43 = arith.constant 0 : i32
    %dma_start3A_44 = tpu.memref_slice %arg2[%mul3A_32, %mul3A_34, %dma_start3A_43] : memref<26x32x100001xf32, #tpu.memory_space<hbm>> -> memref<1x1x100001xf32, #tpu.memory_space<hbm>>
    %dma_start3A_45 = tpu.memref_squeeze %dma_start3A_44 : memref<1x1x100001xf32, #tpu.memory_space<hbm>> -> memref<100001xf32, #tpu.memory_space<hbm>>
    tpu.enqueue_dma source(%dma_start3A_45 : memref<100001xf32, #tpu.memory_space<hbm>>) target(%arg5 : memref<100001xf32, #tpu.memory_space<vmem>>) target_semaphore(%arg12 : memref<!tpu.dma_semaphore, #tpu.memory_space<semaphore_mem>>)
    %scan3A = arith.constant 0 : i32
    %scan3A_46 = arith.constant 0 : i32
    %scan3A_47 = arith.constant 13 : i32
    %scan3A_48 = arith.addi %scan3A_46, %scan3A_47 : i32
    %scan3A_49 = arith.constant 1 : i32
    scf.for %scan3A_51 = %scan3A_46 to %scan3A_48 step %scan3A_49  : i32 {
      %add3A_52 = arith.addi %mul3A_32, %scan3A_51 : i32
      %dma_wait3A = arith.constant 0 : i32
      %dma_wait3A_53 = tpu.memref_slice %arg3[%add3A_52, %dma_wait3A] : memref<39x16384xf32, #tpu.memory_space<hbm>> -> memref<1x16384xf32, #tpu.memory_space<hbm>>
      %dma_wait3A_54 = tpu.memref_squeeze %dma_wait3A_53 : memref<1x16384xf32, #tpu.memory_space<hbm>> -> memref<16384xf32, #tpu.memory_space<hbm>>
      %dma_wait3A_55 = arith.constant 0 : i32
      %dma_wait3A_56 = tpu.memref_slice %arg3[%add3A_52, %dma_wait3A_55] : memref<39x16384xf32, #tpu.memory_space<hbm>> -> memref<1x16384xf32, #tpu.memory_space<hbm>>
      %dma_wait3A_57 = tpu.memref_squeeze %dma_wait3A_56 : memref<1x16384xf32, #tpu.memory_space<hbm>> -> memref<16384xf32, #tpu.memory_space<hbm>>
      tpu.wait_dma2 semaphore(%arg9 : memref<!tpu.dma_semaphore, #tpu.memory_space<semaphore_mem>>) src(%dma_wait3A_57 : memref<16384xf32, #tpu.memory_space<hbm>>) dst(%arg6 : memref<16384xf32, #tpu.memory_space<vmem>>)
      %add3A_58 = arith.constant 0 : i32
      %add3A_59 = arith.addi %mul3A_34, %add3A_58 : i32
      %dma_wait3A_60 = arith.constant 0 : i32
      %dma_wait3A_61 = tpu.memref_slice %arg2[%add3A_52, %add3A_59, %dma_wait3A_60] : memref<26x32x100001xf32, #tpu.memory_space<hbm>> -> memref<1x1x100001xf32, #tpu.memory_space<hbm>>
      %dma_wait3A_62 = tpu.memref_squeeze %dma_wait3A_61 : memref<1x1x100001xf32, #tpu.memory_space<hbm>> -> memref<100001xf32, #tpu.memory_space<hbm>>
      %dma_wait3A_63 = arith.constant 0 : i32
      %dma_wait3A_64 = tpu.memref_slice %arg2[%add3A_52, %add3A_59, %dma_wait3A_63] : memref<26x32x100001xf32, #tpu.memory_space<hbm>> -> memref<1x1x100001xf32, #tpu.memory_space<hbm>>
      %dma_wait3A_65 = tpu.memref_squeeze %dma_wait3A_64 : memref<1x1x100001xf32, #tpu.memory_space<hbm>> -> memref<100001xf32, #tpu.memory_space<hbm>>
      tpu.wait_dma2 semaphore(%arg12 : memref<!tpu.dma_semaphore, #tpu.memory_space<semaphore_mem>>) src(%dma_wait3A_65 : memref<100001xf32, #tpu.memory_space<hbm>>) dst(%arg5 : memref<100001xf32, #tpu.memory_space<vmem>>)
      %mul3A_66 = arith.constant 32 : i32
      %mul3A_67 = arith.muli %add3A_52, %mul3A_66 : i32
      %add3A_68 = arith.addi %mul3A_67, %mul3A_34 : i32
      %add3A_69 = arith.constant 0 : i32
      %add3A_70 = arith.addi %add3A_68, %add3A_69 : i32
      %parallel_loop3A = arith.constant 0 : i32
      %parallel_loop3A_71 = arith.constant 4096 : i32
      %parallel_loop3A_72 = arith.constant 16 : i32
      scf.for %parallel_loop3A_214 = %parallel_loop3A to %parallel_loop3A_71 step %parallel_loop3A_72  : i32 {
        %parallel_loop3A_215 = arith.constant 0 : i32
        %parallel_loop3A_216 = arith.addi %parallel_loop3A_215, %parallel_loop3A_214 : i32
        %parallel_loop3A_217 = arith.index_cast %parallel_loop3A_216 : i32 to index
        %parallel_loop3A_218 = tpu.vector_load %arg6[%parallel_loop3A_217] {strides = array<i32>} : memref<16384xf32, #tpu.memory_space<vmem>>, vector<16xf32>,
        %parallel_loop3A_219 = arith.fptosi %parallel_loop3A_218 : vector<16xf32> to vector<16xi32>
        %parallel_loop3A_220 = tpu.vector_load_idx %arg5[%parallel_loop3A_219] : memref<100001xf32, #tpu.memory_space<vmem>>[vector<16xi32>], vector<16xf32>,
        %parallel_loop3A_221 = arith.index_cast %parallel_loop3A_214 : i32 to index
        %parallel_loop3A_222 = tpu.vector_load %arg7[%parallel_loop3A_221] {strides = array<i32>} : memref<4096xf32, #tpu.memory_space<vmem>>, vector<16xf32>,
        tpu.vector_store %arg7[%parallel_loop3A_221], %parallel_loop3A_220 {strides = array<i32>} : memref<4096xf32, #tpu.memory_space<vmem>>, vector<16xf32>,
      } {sc.loop_unroll_factor = 8 : i64, sc.parallel_access}
      %dma_start3A_73 = arith.constant 0 : i32
      %dma_start3A_74 = tpu.memref_slice %arg4[%add3A_70, %dma_start3A_73] : memref<832x16384xf32, #tpu.memory_space<hbm>> -> memref<1x4096xf32, #tpu.memory_space<hbm>>
      %dma_start3A_75 = tpu.memref_squeeze %dma_start3A_74 : memref<1x4096xf32, #tpu.memory_space<hbm>> -> memref<4096xf32, #tpu.memory_space<hbm>>
      %dma_start3A_76 = arith.constant 0 : i32
      %dma_start3A_77 = tpu.memref_slice %arg4[%add3A_70, %dma_start3A_76] : memref<832x16384xf32, #tpu.memory_space<hbm>> -> memref<1x4096xf32, #tpu.memory_space<hbm>>
      %dma_start3A_78 = tpu.memref_squeeze %dma_start3A_77 : memref<1x4096xf32, #tpu.memory_space<hbm>> -> memref<4096xf32, #tpu.memory_space<hbm>>
      tpu.enqueue_dma source(%arg7 : memref<4096xf32, #tpu.memory_space<vmem>>) target(%dma_start3A_78 : memref<4096xf32, #tpu.memory_space<hbm>>) target_semaphore(%arg10 : memref<!tpu.dma_semaphore, #tpu.memory_space<semaphore_mem>>)
      %parallel_loop3A_79 = arith.constant 0 : i32
      %parallel_loop3A_80 = arith.constant 4096 : i32
      %parallel_loop3A_81 = arith.constant 16 : i32
      scf.for %parallel_loop3A_214 = %parallel_loop3A_79 to %parallel_loop3A_80 step %parallel_loop3A_81  : i32 {
        %parallel_loop3A_215 = arith.constant 4096 : i32
        %parallel_loop3A_216 = arith.addi %parallel_loop3A_215, %parallel_loop3A_214 : i32
        %parallel_loop3A_217 = arith.index_cast %parallel_loop3A_216 : i32 to index
        %parallel_loop3A_218 = tpu.vector_load %arg6[%parallel_loop3A_217] {strides = array<i32>} : memref<16384xf32, #tpu.memory_space<vmem>>, vector<16xf32>,
        %parallel_loop3A_219 = arith.fptosi %parallel_loop3A_218 : vector<16xf32> to vector<16xi32>
        %parallel_loop3A_220 = tpu.vector_load_idx %arg5[%parallel_loop3A_219] : memref<100001xf32, #tpu.memory_space<vmem>>[vector<16xi32>], vector<16xf32>,
        %parallel_loop3A_221 = arith.index_cast %parallel_loop3A_214 : i32 to index
        %parallel_loop3A_222 = tpu.vector_load %arg8[%parallel_loop3A_221] {strides = array<i32>} : memref<4096xf32, #tpu.memory_space<vmem>>, vector<16xf32>,
        tpu.vector_store %arg8[%parallel_loop3A_221], %parallel_loop3A_220 {strides = array<i32>} : memref<4096xf32, #tpu.memory_space<vmem>>, vector<16xf32>,
      } {sc.loop_unroll_factor = 8 : i64, sc.parallel_access}
      %dma_start3A_82 = arith.constant 4096 : i32
      %dma_start3A_83 = tpu.memref_slice %arg4[%add3A_70, %dma_start3A_82] : memref<832x16384xf32, #tpu.memory_space<hbm>> -> memref<1x4096xf32, #tpu.memory_space<hbm>>
      %dma_start3A_84 = tpu.memref_squeeze %dma_start3A_83 : memref<1x4096xf32, #tpu.memory_space<hbm>> -> memref<4096xf32, #tpu.memory_space<hbm>>
      %dma_start3A_85 = arith.constant 4096 : i32
      %dma_start3A_86 = tpu.memref_slice %arg4[%add3A_70, %dma_start3A_85] : memref<832x16384xf32, #tpu.memory_space<hbm>> -> memref<1x4096xf32, #tpu.memory_space<hbm>>
      %dma_start3A_87 = tpu.memref_squeeze %dma_start3A_86 : memref<1x4096xf32, #tpu.memory_space<hbm>> -> memref<4096xf32, #tpu.memory_space<hbm>>
      tpu.enqueue_dma source(%arg8 : memref<4096xf32, #tpu.memory_space<vmem>>) target(%dma_start3A_87 : memref<4096xf32, #tpu.memory_space<hbm>>) target_semaphore(%arg11 : memref<!tpu.dma_semaphore, #tpu.memory_space<semaphore_mem>>)
      %dma_wait3A_88 = arith.constant 0 : i32
      %dma_wait3A_89 = tpu.memref_slice %arg4[%add3A_70, %dma_wait3A_88] : memref<832x16384xf32, #tpu.memory_space<hbm>> -> memref<1x4096xf32, #tpu.memory_space<hbm>>
      %dma_wait3A_90 = tpu.memref_squeeze %dma_wait3A_89 : memref<1x4096xf32, #tpu.memory_space<hbm>> -> memref<4096xf32, #tpu.memory_space<hbm>>
      %dma_wait3A_91 = arith.constant 0 : i32
      %dma_wait3A_92 = tpu.memref_slice %arg4[%add3A_70, %dma_wait3A_91] : memref<832x16384xf32, #tpu.memory_space<hbm>> -> memref<1x4096xf32, #tpu.memory_space<hbm>>
      %dma_wait3A_93 = tpu.memref_squeeze %dma_wait3A_92 : memref<1x4096xf32, #tpu.memory_space<hbm>> -> memref<4096xf32, #tpu.memory_space<hbm>>
      tpu.wait_dma2 semaphore(%arg10 : memref<!tpu.dma_semaphore, #tpu.memory_space<semaphore_mem>>) src(%arg7 : memref<4096xf32, #tpu.memory_space<vmem>>) dst(%dma_wait3A_93 : memref<4096xf32, #tpu.memory_space<hbm>>)
      %parallel_loop3A_94 = arith.constant 0 : i32
      %parallel_loop3A_95 = arith.constant 4096 : i32
      %parallel_loop3A_96 = arith.constant 16 : i32
      scf.for %parallel_loop3A_214 = %parallel_loop3A_94 to %parallel_loop3A_95 step %parallel_loop3A_96  : i32 {
        %parallel_loop3A_215 = arith.constant 8192 : i32
        %parallel_loop3A_216 = arith.addi %parallel_loop3A_215, %parallel_loop3A_214 : i32
        %parallel_loop3A_217 = arith.index_cast %parallel_loop3A_216 : i32 to index
        %parallel_loop3A_218 = tpu.vector_load %arg6[%parallel_loop3A_217] {strides = array<i32>} : memref<16384xf32, #tpu.memory_space<vmem>>, vector<16xf32>,
        %parallel_loop3A_219 = arith.fptosi %parallel_loop3A_218 : vector<16xf32> to vector<16xi32>
        %parallel_loop3A_220 = tpu.vector_load_idx %arg5[%parallel_loop3A_219] : memref<100001xf32, #tpu.memory_space<vmem>>[vector<16xi32>], vector<16xf32>,
        %parallel_loop3A_221 = arith.index_cast %parallel_loop3A_214 : i32 to index
        %parallel_loop3A_222 = tpu.vector_load %arg7[%parallel_loop3A_221] {strides = array<i32>} : memref<4096xf32, #tpu.memory_space<vmem>>, vector<16xf32>,
        tpu.vector_store %arg7[%parallel_loop3A_221], %parallel_loop3A_220 {strides = array<i32>} : memref<4096xf32, #tpu.memory_space<vmem>>, vector<16xf32>,
      } {sc.loop_unroll_factor = 8 : i64, sc.parallel_access}
      %dma_start3A_97 = arith.constant 8192 : i32
      %dma_start3A_98 = tpu.memref_slice %arg4[%add3A_70, %dma_start3A_97] : memref<832x16384xf32, #tpu.memory_space<hbm>> -> memref<1x4096xf32, #tpu.memory_space<hbm>>
      %dma_start3A_99 = tpu.memref_squeeze %dma_start3A_98 : memref<1x4096xf32, #tpu.memory_space<hbm>> -> memref<4096xf32, #tpu.memory_space<hbm>>
      %dma_start3A_100 = arith.constant 8192 : i32
      %dma_start3A_101 = tpu.memref_slice %arg4[%add3A_70, %dma_start3A_100] : memref<832x16384xf32, #tpu.memory_space<hbm>> -> memref<1x4096xf32, #tpu.memory_space<hbm>>
      %dma_start3A_102 = tpu.memref_squeeze %dma_start3A_101 : memref<1x4096xf32, #tpu.memory_space<hbm>> -> memref<4096xf32, #tpu.memory_space<hbm>>
      tpu.enqueue_dma source(%arg7 : memref<4096xf32, #tpu.memory_space<vmem>>) target(%dma_start3A_102 : memref<4096xf32, #tpu.memory_space<hbm>>) target_semaphore(%arg10 : memref<!tpu.dma_semaphore, #tpu.memory_space<semaphore_mem>>)
      %dma_wait3A_103 = arith.constant 4096 : i32
      %dma_wait3A_104 = tpu.memref_slice %arg4[%add3A_70, %dma_wait3A_103] : memref<832x16384xf32, #tpu.memory_space<hbm>> -> memref<1x4096xf32, #tpu.memory_space<hbm>>
      %dma_wait3A_105 = tpu.memref_squeeze %dma_wait3A_104 : memref<1x4096xf32, #tpu.memory_space<hbm>> -> memref<4096xf32, #tpu.memory_space<hbm>>
      %dma_wait3A_106 = arith.constant 4096 : i32
      %dma_wait3A_107 = tpu.memref_slice %arg4[%add3A_70, %dma_wait3A_106] : memref<832x16384xf32, #tpu.memory_space<hbm>> -> memref<1x4096xf32, #tpu.memory_space<hbm>>
      %dma_wait3A_108 = tpu.memref_squeeze %dma_wait3A_107 : memref<1x4096xf32, #tpu.memory_space<hbm>> -> memref<4096xf32, #tpu.memory_space<hbm>>
      tpu.wait_dma2 semaphore(%arg11 : memref<!tpu.dma_semaphore, #tpu.memory_space<semaphore_mem>>) src(%arg8 : memref<4096xf32, #tpu.memory_space<vmem>>) dst(%dma_wait3A_108 : memref<4096xf32, #tpu.memory_space<hbm>>)
      %parallel_loop3A_109 = arith.constant 0 : i32
      %parallel_loop3A_110 = arith.constant 4096 : i32
      %parallel_loop3A_111 = arith.constant 16 : i32
      scf.for %parallel_loop3A_214 = %parallel_loop3A_109 to %parallel_loop3A_110 step %parallel_loop3A_111  : i32 {
        %parallel_loop3A_215 = arith.constant 12288 : i32
        %parallel_loop3A_216 = arith.addi %parallel_loop3A_215, %parallel_loop3A_214 : i32
        %parallel_loop3A_217 = arith.index_cast %parallel_loop3A_216 : i32 to index
        %parallel_loop3A_218 = tpu.vector_load %arg6[%parallel_loop3A_217] {strides = array<i32>} : memref<16384xf32, #tpu.memory_space<vmem>>, vector<16xf32>,
        %parallel_loop3A_219 = arith.fptosi %parallel_loop3A_218 : vector<16xf32> to vector<16xi32>
        %parallel_loop3A_220 = tpu.vector_load_idx %arg5[%parallel_loop3A_219] : memref<100001xf32, #tpu.memory_space<vmem>>[vector<16xi32>], vector<16xf32>,
        %parallel_loop3A_221 = arith.index_cast %parallel_loop3A_214 : i32 to index
        %parallel_loop3A_222 = tpu.vector_load %arg8[%parallel_loop3A_221] {strides = array<i32>} : memref<4096xf32, #tpu.memory_space<vmem>>, vector<16xf32>,
        tpu.vector_store %arg8[%parallel_loop3A_221], %parallel_loop3A_220 {strides = array<i32>} : memref<4096xf32, #tpu.memory_space<vmem>>, vector<16xf32>,
      } {sc.loop_unroll_factor = 8 : i64, sc.parallel_access}
      %dma_start3A_112 = arith.constant 12288 : i32
      %dma_start3A_113 = tpu.memref_slice %arg4[%add3A_70, %dma_start3A_112] : memref<832x16384xf32, #tpu.memory_space<hbm>> -> memref<1x4096xf32, #tpu.memory_space<hbm>>
      %dma_start3A_114 = tpu.memref_squeeze %dma_start3A_113 : memref<1x4096xf32, #tpu.memory_space<hbm>> -> memref<4096xf32, #tpu.memory_space<hbm>>
      %dma_start3A_115 = arith.constant 12288 : i32
      %dma_start3A_116 = tpu.memref_slice %arg4[%add3A_70, %dma_start3A_115] : memref<832x16384xf32, #tpu.memory_space<hbm>> -> memref<1x4096xf32, #tpu.memory_space<hbm>>
      %dma_start3A_117 = tpu.memref_squeeze %dma_start3A_116 : memref<1x4096xf32, #tpu.memory_space<hbm>> -> memref<4096xf32, #tpu.memory_space<hbm>>
      tpu.enqueue_dma source(%arg8 : memref<4096xf32, #tpu.memory_space<vmem>>) target(%dma_start3A_117 : memref<4096xf32, #tpu.memory_space<hbm>>) target_semaphore(%arg11 : memref<!tpu.dma_semaphore, #tpu.memory_space<semaphore_mem>>)
      %add3A_118 = arith.constant 1 : i32
      %add3A_119 = arith.addi %mul3A_34, %add3A_118 : i32
      %dma_start3A_120 = arith.constant 0 : i32
      %dma_start3A_121 = tpu.memref_slice %arg2[%add3A_52, %add3A_119, %dma_start3A_120] : memref<26x32x100001xf32, #tpu.memory_space<hbm>> -> memref<1x1x100001xf32, #tpu.memory_space<hbm>>
      %dma_start3A_122 = tpu.memref_squeeze %dma_start3A_121 : memref<1x1x100001xf32, #tpu.memory_space<hbm>> -> memref<100001xf32, #tpu.memory_space<hbm>>
      %dma_start3A_123 = arith.constant 0 : i32
      %dma_start3A_124 = tpu.memref_slice %arg2[%add3A_52, %add3A_119, %dma_start3A_123] : memref<26x32x100001xf32, #tpu.memory_space<hbm>> -> memref<1x1x100001xf32, #tpu.memory_space<hbm>>
      %dma_start3A_125 = tpu.memref_squeeze %dma_start3A_124 : memref<1x1x100001xf32, #tpu.memory_space<hbm>> -> memref<100001xf32, #tpu.memory_space<hbm>>
      tpu.enqueue_dma source(%dma_start3A_125 : memref<100001xf32, #tpu.memory_space<hbm>>) target(%arg5 : memref<100001xf32, #tpu.memory_space<vmem>>) target_semaphore(%arg12 : memref<!tpu.dma_semaphore, #tpu.memory_space<semaphore_mem>>)
      %dma_wait3A_126 = arith.constant 8192 : i32
      %dma_wait3A_127 = tpu.memref_slice %arg4[%add3A_70, %dma_wait3A_126] : memref<832x16384xf32, #tpu.memory_space<hbm>> -> memref<1x4096xf32, #tpu.memory_space<hbm>>
      %dma_wait3A_128 = tpu.memref_squeeze %dma_wait3A_127 : memref<1x4096xf32, #tpu.memory_space<hbm>> -> memref<4096xf32, #tpu.memory_space<hbm>>
      %dma_wait3A_129 = arith.constant 8192 : i32
      %dma_wait3A_130 = tpu.memref_slice %arg4[%add3A_70, %dma_wait3A_129] : memref<832x16384xf32, #tpu.memory_space<hbm>> -> memref<1x4096xf32, #tpu.memory_space<hbm>>
      %dma_wait3A_131 = tpu.memref_squeeze %dma_wait3A_130 : memref<1x4096xf32, #tpu.memory_space<hbm>> -> memref<4096xf32, #tpu.memory_space<hbm>>
      tpu.wait_dma2 semaphore(%arg10 : memref<!tpu.dma_semaphore, #tpu.memory_space<semaphore_mem>>) src(%arg7 : memref<4096xf32, #tpu.memory_space<vmem>>) dst(%dma_wait3A_131 : memref<4096xf32, #tpu.memory_space<hbm>>)
      %dma_wait3A_132 = arith.constant 12288 : i32
      %dma_wait3A_133 = tpu.memref_slice %arg4[%add3A_70, %dma_wait3A_132] : memref<832x16384xf32, #tpu.memory_space<hbm>> -> memref<1x4096xf32, #tpu.memory_space<hbm>>
      %dma_wait3A_134 = tpu.memref_squeeze %dma_wait3A_133 : memref<1x4096xf32, #tpu.memory_space<hbm>> -> memref<4096xf32, #tpu.memory_space<hbm>>
      %dma_wait3A_135 = arith.constant 12288 : i32
      %dma_wait3A_136 = tpu.memref_slice %arg4[%add3A_70, %dma_wait3A_135] : memref<832x16384xf32, #tpu.memory_space<hbm>> -> memref<1x4096xf32, #tpu.memory_space<hbm>>
      %dma_wait3A_137 = tpu.memref_squeeze %dma_wait3A_136 : memref<1x4096xf32, #tpu.memory_space<hbm>> -> memref<4096xf32, #tpu.memory_space<hbm>>
      tpu.wait_dma2 semaphore(%arg11 : memref<!tpu.dma_semaphore, #tpu.memory_space<semaphore_mem>>) src(%arg8 : memref<4096xf32, #tpu.memory_space<vmem>>) dst(%dma_wait3A_137 : memref<4096xf32, #tpu.memory_space<hbm>>)
      %add3A_138 = arith.constant 1 : i32
      %add3A_139 = arith.addi %mul3A_34, %add3A_138 : i32
      %dma_wait3A_140 = arith.constant 0 : i32
      %dma_wait3A_141 = tpu.memref_slice %arg2[%add3A_52, %add3A_139, %dma_wait3A_140] : memref<26x32x100001xf32, #tpu.memory_space<hbm>> -> memref<1x1x100001xf32, #tpu.memory_space<hbm>>
      %dma_wait3A_142 = tpu.memref_squeeze %dma_wait3A_141 : memref<1x1x100001xf32, #tpu.memory_space<hbm>> -> memref<100001xf32, #tpu.memory_space<hbm>>
      %dma_wait3A_143 = arith.constant 0 : i32
      %dma_wait3A_144 = tpu.memref_slice %arg2[%add3A_52, %add3A_139, %dma_wait3A_143] : memref<26x32x100001xf32, #tpu.memory_space<hbm>> -> memref<1x1x100001xf32, #tpu.memory_space<hbm>>
      %dma_wait3A_145 = tpu.memref_squeeze %dma_wait3A_144 : memref<1x1x100001xf32, #tpu.memory_space<hbm>> -> memref<100001xf32, #tpu.memory_space<hbm>>
      tpu.wait_dma2 semaphore(%arg12 : memref<!tpu.dma_semaphore, #tpu.memory_space<semaphore_mem>>) src(%dma_wait3A_145 : memref<100001xf32, #tpu.memory_space<hbm>>) dst(%arg5 : memref<100001xf32, #tpu.memory_space<vmem>>)
      %mul3A_146 = arith.constant 32 : i32
      %mul3A_147 = arith.muli %add3A_52, %mul3A_146 : i32
      %add3A_148 = arith.addi %mul3A_147, %mul3A_34 : i32
      %add3A_149 = arith.constant 1 : i32
      %add3A_150 = arith.addi %add3A_148, %add3A_149 : i32
      %parallel_loop3A_151 = arith.constant 0 : i32
      %parallel_loop3A_152 = arith.constant 4096 : i32
      %parallel_loop3A_153 = arith.constant 16 : i32
      scf.for %parallel_loop3A_214 = %parallel_loop3A_151 to %parallel_loop3A_152 step %parallel_loop3A_153  : i32 {
        %parallel_loop3A_215 = arith.constant 0 : i32
        %parallel_loop3A_216 = arith.addi %parallel_loop3A_215, %parallel_loop3A_214 : i32
        %parallel_loop3A_217 = arith.index_cast %parallel_loop3A_216 : i32 to index
        %parallel_loop3A_218 = tpu.vector_load %arg6[%parallel_loop3A_217] {strides = array<i32>} : memref<16384xf32, #tpu.memory_space<vmem>>, vector<16xf32>,
        %parallel_loop3A_219 = arith.fptosi %parallel_loop3A_218 : vector<16xf32> to vector<16xi32>
        %parallel_loop3A_220 = tpu.vector_load_idx %arg5[%parallel_loop3A_219] : memref<100001xf32, #tpu.memory_space<vmem>>[vector<16xi32>], vector<16xf32>,
        %parallel_loop3A_221 = arith.index_cast %parallel_loop3A_214 : i32 to index
        %parallel_loop3A_222 = tpu.vector_load %arg7[%parallel_loop3A_221] {strides = array<i32>} : memref<4096xf32, #tpu.memory_space<vmem>>, vector<16xf32>,
        tpu.vector_store %arg7[%parallel_loop3A_221], %parallel_loop3A_220 {strides = array<i32>} : memref<4096xf32, #tpu.memory_space<vmem>>, vector<16xf32>,
      } {sc.loop_unroll_factor = 8 : i64, sc.parallel_access}
      %dma_start3A_154 = arith.constant 0 : i32
      %dma_start3A_155 = tpu.memref_slice %arg4[%add3A_150, %dma_start3A_154] : memref<832x16384xf32, #tpu.memory_space<hbm>> -> memref<1x4096xf32, #tpu.memory_space<hbm>>
      %dma_start3A_156 = tpu.memref_squeeze %dma_start3A_155 : memref<1x4096xf32, #tpu.memory_space<hbm>> -> memref<4096xf32, #tpu.memory_space<hbm>>
      %dma_start3A_157 = arith.constant 0 : i32
      %dma_start3A_158 = tpu.memref_slice %arg4[%add3A_150, %dma_start3A_157] : memref<832x16384xf32, #tpu.memory_space<hbm>> -> memref<1x4096xf32, #tpu.memory_space<hbm>>
      %dma_start3A_159 = tpu.memref_squeeze %dma_start3A_158 : memref<1x4096xf32, #tpu.memory_space<hbm>> -> memref<4096xf32, #tpu.memory_space<hbm>>
      tpu.enqueue_dma source(%arg7 : memref<4096xf32, #tpu.memory_space<vmem>>) target(%dma_start3A_159 : memref<4096xf32, #tpu.memory_space<hbm>>) target_semaphore(%arg10 : memref<!tpu.dma_semaphore, #tpu.memory_space<semaphore_mem>>)
      %parallel_loop3A_160 = arith.constant 0 : i32
      %parallel_loop3A_161 = arith.constant 4096 : i32
      %parallel_loop3A_162 = arith.constant 16 : i32
      scf.for %parallel_loop3A_214 = %parallel_loop3A_160 to %parallel_loop3A_161 step %parallel_loop3A_162  : i32 {
        %parallel_loop3A_215 = arith.constant 4096 : i32
        %parallel_loop3A_216 = arith.addi %parallel_loop3A_215, %parallel_loop3A_214 : i32
        %parallel_loop3A_217 = arith.index_cast %parallel_loop3A_216 : i32 to index
        %parallel_loop3A_218 = tpu.vector_load %arg6[%parallel_loop3A_217] {strides = array<i32>} : memref<16384xf32, #tpu.memory_space<vmem>>, vector<16xf32>,
        %parallel_loop3A_219 = arith.fptosi %parallel_loop3A_218 : vector<16xf32> to vector<16xi32>
        %parallel_loop3A_220 = tpu.vector_load_idx %arg5[%parallel_loop3A_219] : memref<100001xf32, #tpu.memory_space<vmem>>[vector<16xi32>], vector<16xf32>,
        %parallel_loop3A_221 = arith.index_cast %parallel_loop3A_214 : i32 to index
        %parallel_loop3A_222 = tpu.vector_load %arg8[%parallel_loop3A_221] {strides = array<i32>} : memref<4096xf32, #tpu.memory_space<vmem>>, vector<16xf32>,
        tpu.vector_store %arg8[%parallel_loop3A_221], %parallel_loop3A_220 {strides = array<i32>} : memref<4096xf32, #tpu.memory_space<vmem>>, vector<16xf32>,
      } {sc.loop_unroll_factor = 8 : i64, sc.parallel_access}
      %dma_start3A_163 = arith.constant 4096 : i32
      %dma_start3A_164 = tpu.memref_slice %arg4[%add3A_150, %dma_start3A_163] : memref<832x16384xf32, #tpu.memory_space<hbm>> -> memref<1x4096xf32, #tpu.memory_space<hbm>>
      %dma_start3A_165 = tpu.memref_squeeze %dma_start3A_164 : memref<1x4096xf32, #tpu.memory_space<hbm>> -> memref<4096xf32, #tpu.memory_space<hbm>>
      %dma_start3A_166 = arith.constant 4096 : i32
      %dma_start3A_167 = tpu.memref_slice %arg4[%add3A_150, %dma_start3A_166] : memref<832x16384xf32, #tpu.memory_space<hbm>> -> memref<1x4096xf32, #tpu.memory_space<hbm>>
      %dma_start3A_168 = tpu.memref_squeeze %dma_start3A_167 : memref<1x4096xf32, #tpu.memory_space<hbm>> -> memref<4096xf32, #tpu.memory_space<hbm>>
      tpu.enqueue_dma source(%arg8 : memref<4096xf32, #tpu.memory_space<vmem>>) target(%dma_start3A_168 : memref<4096xf32, #tpu.memory_space<hbm>>) target_semaphore(%arg11 : memref<!tpu.dma_semaphore, #tpu.memory_space<semaphore_mem>>)
      %dma_wait3A_169 = arith.constant 0 : i32
      %dma_wait3A_170 = tpu.memref_slice %arg4[%add3A_150, %dma_wait3A_169] : memref<832x16384xf32, #tpu.memory_space<hbm>> -> memref<1x4096xf32, #tpu.memory_space<hbm>>
      %dma_wait3A_171 = tpu.memref_squeeze %dma_wait3A_170 : memref<1x4096xf32, #tpu.memory_space<hbm>> -> memref<4096xf32, #tpu.memory_space<hbm>>
      %dma_wait3A_172 = arith.constant 0 : i32
      %dma_wait3A_173 = tpu.memref_slice %arg4[%add3A_150, %dma_wait3A_172] : memref<832x16384xf32, #tpu.memory_space<hbm>> -> memref<1x4096xf32, #tpu.memory_space<hbm>>
      %dma_wait3A_174 = tpu.memref_squeeze %dma_wait3A_173 : memref<1x4096xf32, #tpu.memory_space<hbm>> -> memref<4096xf32, #tpu.memory_space<hbm>>
      tpu.wait_dma2 semaphore(%arg10 : memref<!tpu.dma_semaphore, #tpu.memory_space<semaphore_mem>>) src(%arg7 : memref<4096xf32, #tpu.memory_space<vmem>>) dst(%dma_wait3A_174 : memref<4096xf32, #tpu.memory_space<hbm>>)
      %parallel_loop3A_175 = arith.constant 0 : i32
      %parallel_loop3A_176 = arith.constant 4096 : i32
      %parallel_loop3A_177 = arith.constant 16 : i32
      scf.for %parallel_loop3A_214 = %parallel_loop3A_175 to %parallel_loop3A_176 step %parallel_loop3A_177  : i32 {
        %parallel_loop3A_215 = arith.constant 8192 : i32
        %parallel_loop3A_216 = arith.addi %parallel_loop3A_215, %parallel_loop3A_214 : i32
        %parallel_loop3A_217 = arith.index_cast %parallel_loop3A_216 : i32 to index
        %parallel_loop3A_218 = tpu.vector_load %arg6[%parallel_loop3A_217] {strides = array<i32>} : memref<16384xf32, #tpu.memory_space<vmem>>, vector<16xf32>,
        %parallel_loop3A_219 = arith.fptosi %parallel_loop3A_218 : vector<16xf32> to vector<16xi32>
        %parallel_loop3A_220 = tpu.vector_load_idx %arg5[%parallel_loop3A_219] : memref<100001xf32, #tpu.memory_space<vmem>>[vector<16xi32>], vector<16xf32>,
        %parallel_loop3A_221 = arith.index_cast %parallel_loop3A_214 : i32 to index
        %parallel_loop3A_222 = tpu.vector_load %arg7[%parallel_loop3A_221] {strides = array<i32>} : memref<4096xf32, #tpu.memory_space<vmem>>, vector<16xf32>,
        tpu.vector_store %arg7[%parallel_loop3A_221], %parallel_loop3A_220 {strides = array<i32>} : memref<4096xf32, #tpu.memory_space<vmem>>, vector<16xf32>,
      } {sc.loop_unroll_factor = 8 : i64, sc.parallel_access}
      %dma_start3A_178 = arith.constant 8192 : i32
      %dma_start3A_179 = tpu.memref_slice %arg4[%add3A_150, %dma_start3A_178] : memref<832x16384xf32, #tpu.memory_space<hbm>> -> memref<1x4096xf32, #tpu.memory_space<hbm>>
      %dma_start3A_180 = tpu.memref_squeeze %dma_start3A_179 : memref<1x4096xf32, #tpu.memory_space<hbm>> -> memref<4096xf32, #tpu.memory_space<hbm>>
      %dma_start3A_181 = arith.constant 8192 : i32
      %dma_start3A_182 = tpu.memref_slice %arg4[%add3A_150, %dma_start3A_181] : memref<832x16384xf32, #tpu.memory_space<hbm>> -> memref<1x4096xf32, #tpu.memory_space<hbm>>
      %dma_start3A_183 = tpu.memref_squeeze %dma_start3A_182 : memref<1x4096xf32, #tpu.memory_space<hbm>> -> memref<4096xf32, #tpu.memory_space<hbm>>
      tpu.enqueue_dma source(%arg7 : memref<4096xf32, #tpu.memory_space<vmem>>) target(%dma_start3A_183 : memref<4096xf32, #tpu.memory_space<hbm>>) target_semaphore(%arg10 : memref<!tpu.dma_semaphore, #tpu.memory_space<semaphore_mem>>)
      %dma_wait3A_184 = arith.constant 4096 : i32
      %dma_wait3A_185 = tpu.memref_slice %arg4[%add3A_150, %dma_wait3A_184] : memref<832x16384xf32, #tpu.memory_space<hbm>> -> memref<1x4096xf32, #tpu.memory_space<hbm>>
      %dma_wait3A_186 = tpu.memref_squeeze %dma_wait3A_185 : memref<1x4096xf32, #tpu.memory_space<hbm>> -> memref<4096xf32, #tpu.memory_space<hbm>>
      %dma_wait3A_187 = arith.constant 4096 : i32
      %dma_wait3A_188 = tpu.memref_slice %arg4[%add3A_150, %dma_wait3A_187] : memref<832x16384xf32, #tpu.memory_space<hbm>> -> memref<1x4096xf32, #tpu.memory_space<hbm>>
      %dma_wait3A_189 = tpu.memref_squeeze %dma_wait3A_188 : memref<1x4096xf32, #tpu.memory_space<hbm>> -> memref<4096xf32, #tpu.memory_space<hbm>>
      tpu.wait_dma2 semaphore(%arg11 : memref<!tpu.dma_semaphore, #tpu.memory_space<semaphore_mem>>) src(%arg8 : memref<4096xf32, #tpu.memory_space<vmem>>) dst(%dma_wait3A_189 : memref<4096xf32, #tpu.memory_space<hbm>>)
      %parallel_loop3A_190 = arith.constant 0 : i32
      %parallel_loop3A_191 = arith.constant 4096 : i32
      %parallel_loop3A_192 = arith.constant 16 : i32
      scf.for %parallel_loop3A_214 = %parallel_loop3A_190 to %parallel_loop3A_191 step %parallel_loop3A_192  : i32 {
        %parallel_loop3A_215 = arith.constant 12288 : i32
        %parallel_loop3A_216 = arith.addi %parallel_loop3A_215, %parallel_loop3A_214 : i32
        %parallel_loop3A_217 = arith.index_cast %parallel_loop3A_216 : i32 to index
        %parallel_loop3A_218 = tpu.vector_load %arg6[%parallel_loop3A_217] {strides = array<i32>} : memref<16384xf32, #tpu.memory_space<vmem>>, vector<16xf32>,
        %parallel_loop3A_219 = arith.fptosi %parallel_loop3A_218 : vector<16xf32> to vector<16xi32>
        %parallel_loop3A_220 = tpu.vector_load_idx %arg5[%parallel_loop3A_219] : memref<100001xf32, #tpu.memory_space<vmem>>[vector<16xi32>], vector<16xf32>,
        %parallel_loop3A_221 = arith.index_cast %parallel_loop3A_214 : i32 to index
        %parallel_loop3A_222 = tpu.vector_load %arg8[%parallel_loop3A_221] {strides = array<i32>} : memref<4096xf32, #tpu.memory_space<vmem>>, vector<16xf32>,
        tpu.vector_store %arg8[%parallel_loop3A_221], %parallel_loop3A_220 {strides = array<i32>} : memref<4096xf32, #tpu.memory_space<vmem>>, vector<16xf32>,
      } {sc.loop_unroll_factor = 8 : i64, sc.parallel_access}
      %dma_start3A_193 = arith.constant 12288 : i32
      %dma_start3A_194 = tpu.memref_slice %arg4[%add3A_150, %dma_start3A_193] : memref<832x16384xf32, #tpu.memory_space<hbm>> -> memref<1x4096xf32, #tpu.memory_space<hbm>>
      %dma_start3A_195 = tpu.memref_squeeze %dma_start3A_194 : memref<1x4096xf32, #tpu.memory_space<hbm>> -> memref<4096xf32, #tpu.memory_space<hbm>>
      %dma_start3A_196 = arith.constant 12288 : i32
      %dma_start3A_197 = tpu.memref_slice %arg4[%add3A_150, %dma_start3A_196] : memref<832x16384xf32, #tpu.memory_space<hbm>> -> memref<1x4096xf32, #tpu.memory_space<hbm>>
      %dma_start3A_198 = tpu.memref_squeeze %dma_start3A_197 : memref<1x4096xf32, #tpu.memory_space<hbm>> -> memref<4096xf32, #tpu.memory_space<hbm>>
      tpu.enqueue_dma source(%arg8 : memref<4096xf32, #tpu.memory_space<vmem>>) target(%dma_start3A_198 : memref<4096xf32, #tpu.memory_space<hbm>>) target_semaphore(%arg11 : memref<!tpu.dma_semaphore, #tpu.memory_space<semaphore_mem>>)
      %lt3A_199 = arith.constant 12 : i32
      %lt3A_200 = arith.cmpi slt, %scan3A_51, %lt3A_199 : i32
      %convert_element_type3A = arith.extui %lt3A_200 : i1 to i32
      %cond3A = arith.constant 0 : i32
      %cond3A_201 = arith.cmpi ne, %convert_element_type3A, %cond3A : i32
      scf.if %cond3A_201 {
        %add3A_214 = arith.constant 1 : i32
        %add3A_215 = arith.addi %add3A_52, %add3A_214 : i32
        %dma_start3A_216 = arith.constant 0 : i32
        %dma_start3A_217 = tpu.memref_slice %arg3[%add3A_215, %dma_start3A_216] : memref<39x16384xf32, #tpu.memory_space<hbm>> -> memref<1x16384xf32, #tpu.memory_space<hbm>>
        %dma_start3A_218 = tpu.memref_squeeze %dma_start3A_217 : memref<1x16384xf32, #tpu.memory_space<hbm>> -> memref<16384xf32, #tpu.memory_space<hbm>>
        %dma_start3A_219 = arith.constant 0 : i32
        %dma_start3A_220 = tpu.memref_slice %arg3[%add3A_215, %dma_start3A_219] : memref<39x16384xf32, #tpu.memory_space<hbm>> -> memref<1x16384xf32, #tpu.memory_space<hbm>>
        %dma_start3A_221 = tpu.memref_squeeze %dma_start3A_220 : memref<1x16384xf32, #tpu.memory_space<hbm>> -> memref<16384xf32, #tpu.memory_space<hbm>>
        tpu.enqueue_dma source(%dma_start3A_221 : memref<16384xf32, #tpu.memory_space<hbm>>) target(%arg6 : memref<16384xf32, #tpu.memory_space<vmem>>) target_semaphore(%arg9 : memref<!tpu.dma_semaphore, #tpu.memory_space<semaphore_mem>>)
        %add3A_222 = arith.constant 1 : i32
        %add3A_223 = arith.addi %add3A_52, %add3A_222 : i32
        %dma_start3A_224 = arith.constant 0 : i32
        %dma_start3A_225 = tpu.memref_slice %arg2[%add3A_223, %mul3A_34, %dma_start3A_224] : memref<26x32x100001xf32, #tpu.memory_space<hbm>> -> memref<1x1x100001xf32, #tpu.memory_space<hbm>>
        %dma_start3A_226 = tpu.memref_squeeze %dma_start3A_225 : memref<1x1x100001xf32, #tpu.memory_space<hbm>> -> memref<100001xf32, #tpu.memory_space<hbm>>
        %dma_start3A_227 = arith.constant 0 : i32
        %dma_start3A_228 = tpu.memref_slice %arg2[%add3A_223, %mul3A_34, %dma_start3A_227] : memref<26x32x100001xf32, #tpu.memory_space<hbm>> -> memref<1x1x100001xf32, #tpu.memory_space<hbm>>
        %dma_start3A_229 = tpu.memref_squeeze %dma_start3A_228 : memref<1x1x100001xf32, #tpu.memory_space<hbm>> -> memref<100001xf32, #tpu.memory_space<hbm>>
        tpu.enqueue_dma source(%dma_start3A_229 : memref<100001xf32, #tpu.memory_space<hbm>>) target(%arg5 : memref<100001xf32, #tpu.memory_space<vmem>>) target_semaphore(%arg12 : memref<!tpu.dma_semaphore, #tpu.memory_space<semaphore_mem>>)
      } else {
      }
      %dma_wait3A_202 = arith.constant 8192 : i32
      %dma_wait3A_203 = tpu.memref_slice %arg4[%add3A_150, %dma_wait3A_202] : memref<832x16384xf32, #tpu.memory_space<hbm>> -> memref<1x4096xf32, #tpu.memory_space<hbm>>
      %dma_wait3A_204 = tpu.memref_squeeze %dma_wait3A_203 : memref<1x4096xf32, #tpu.memory_space<hbm>> -> memref<4096xf32, #tpu.memory_space<hbm>>
      %dma_wait3A_205 = arith.constant 8192 : i32
      %dma_wait3A_206 = tpu.memref_slice %arg4[%add3A_150, %dma_wait3A_205] : memref<832x16384xf32, #tpu.memory_space<hbm>> -> memref<1x4096xf32, #tpu.memory_space<hbm>>
      %dma_wait3A_207 = tpu.memref_squeeze %dma_wait3A_206 : memref<1x4096xf32, #tpu.memory_space<hbm>> -> memref<4096xf32, #tpu.memory_space<hbm>>
      tpu.wait_dma2 semaphore(%arg10 : memref<!tpu.dma_semaphore, #tpu.memory_space<semaphore_mem>>) src(%arg7 : memref<4096xf32, #tpu.memory_space<vmem>>) dst(%dma_wait3A_207 : memref<4096xf32, #tpu.memory_space<hbm>>)
      %dma_wait3A_208 = arith.constant 12288 : i32
      %dma_wait3A_209 = tpu.memref_slice %arg4[%add3A_150, %dma_wait3A_208] : memref<832x16384xf32, #tpu.memory_space<hbm>> -> memref<1x4096xf32, #tpu.memory_space<hbm>>
      %dma_wait3A_210 = tpu.memref_squeeze %dma_wait3A_209 : memref<1x4096xf32, #tpu.memory_space<hbm>> -> memref<4096xf32, #tpu.memory_space<hbm>>
      %dma_wait3A_211 = arith.constant 12288 : i32
      %dma_wait3A_212 = tpu.memref_slice %arg4[%add3A_150, %dma_wait3A_211] : memref<832x16384xf32, #tpu.memory_space<hbm>> -> memref<1x4096xf32, #tpu.memory_space<hbm>>
      %dma_wait3A_213 = tpu.memref_squeeze %dma_wait3A_212 : memref<1x4096xf32, #tpu.memory_space<hbm>> -> memref<4096xf32, #tpu.memory_space<hbm>>
      tpu.wait_dma2 semaphore(%arg11 : memref<!tpu.dma_semaphore, #tpu.memory_space<semaphore_mem>>) src(%arg8 : memref<4096xf32, #tpu.memory_space<vmem>>) dst(%dma_wait3A_213 : memref<4096xf32, #tpu.memory_space<hbm>>)
    }
    %scan3A_50 = arith.constant 13 : i32
    return
  }
}

</mosaic_0001>

<sc_bundles>
// kernel: kernel.3.cloned.1.call-start
scs
__scs_entry_jumppad:
0x0: {  	(pc) =	sbr.rel $0x88, $3  }
0x1: {  	(tag) =	ssettag $0x0;
	lr =	simm.s32 $0x1  }
0x2: {  	[smem:$0x3F9F] =	sst lr;
	_ =	strace $0xD0000000  }
0x3: {  	_ = 	snop  }
0x4: {  	_ = 	snop  }
0x5: {  	_ = 	snop  }
0x6: {  	_ = 	snop  }
0x7: {  	_ = 	snop  }
__scs_overlays_trampoline_lowered:
0x8: {  	[smem:$0x3FAE] =	sst s0  }
0x9: {  	[smem:$0x3FAF] =	sst s1  }
0xa: {  	[smem:$0x3FB0] =	sst s2  }
0xb: {  	[smem:$0x3FB1] =	sst s3  }
0xc: {  	[smem:$0x3FB2] =	sst s4  }
0xd: {  	[smem:$0x3FB3] =	sst s5  }
0xe: {  	[smem:$0x3FB4] =	sst s6  }
0xf: {  	[smem:$0x3FB5] =	sst s7  }
0x10: {  	[smem:$0x3FB6] =	sst s8  }
0x11: {  	[smem:$0x3FB7] =	sst s9;
	s0 =	simm.s32 @!p0 $0x0  }
0x12: {  	s1 =	sld [smem:$0x3F9D];
	s0 =	simm.s32 @p0 $0x1  }
0x13: {  	[smem:$0x3FB8] =	sst s0;
	s0 =	simm.s32 @!p1 $0x0  }
0x14: {  	s2 =	sld [smem:$0x3F9C];
	s0 =	simm.s32 @p1 $0x1  }
0x15: {  	[smem:$0x3FB9] =	sst s0;
	s0 =	simm.s32 @!p2 $0x0  }
0x16: {  	s3 =	sld [smem:$0x3FDB];
	s0 =	simm.s32 @p2 $0x1  }
0x17: {  	s4 =	simm.s32 $0x1BF5;
	[smem:$0x3FBB] =	sst s0  }
0x18: {  	s0 =	sld [smem:$0x3F9E];
	_ =	swait.ge [sflag:s4], $0x0  }
0x19: {  	s7 =	sld [smem:$0x3F9F]  }
0x1a: {  	s8 =	sadd.s32 $0xFFFFE003, lr  }
0x1b: {  	s9 =	sadd.s32 $0xFFFFFEF7, lr;
	s5 =	simm.s32 $0xFFFFFFFF;
	p2 =	slt.u32 s8, $0xFFFFF086  }
0x1c: {  	p1 =	slt.u32 s9, $0xF7A;
	s5 =	simm.s32 @!p2 $0x0  }
0x1d: {  	s5 =	simm.s32 @p1 $0x1;
	p0 =	seq.s32 s7, s2  }
0x1e: {  	s7 =	smul.u32 @!p0 $0xF7A, s2;
	p2 =	seq.s32 @!p0 s5, $0x0  }
0x1f: {  	s9 =	smul.u32 $0xF7A, s1;
	s8 =	simm.s32 @!p0 $0x1BF5;
	p2 =	por !p2, p0  }
0x20: {  	[sflag:s8] =	ssyncset.s32 @!p0 $0xFFFFF086;
	s6 =	sadd.s32 @!p0 s3, s7;
	s7 =	simm.s32 @!p0 $0x108  }
0x21: {  	s3 =	sadd.s32 s3, s9;
	s6 =	sadd.s32 @!p0 $0x88, s6;
	s7 =	simm.s32 @p2 $0x1082  }
0x22: {  	[simem:s7], [sflag:s8] =	dma.local @!p0 [hbm:s6], $0xF7A  }
0x23: {  	s9 =	sor.u32 $0xD0000000, s2;
	s6 =	simm.s32 $0x108;
	_ =	swait.ge @!p0 [sflag:s8], $0x0  }
0x24: {  	s3 =	sadd.s32 $0x88, s3;
	s6 =	simm.s32 @!p1 $0x1082;
	[sflag:s4] =	ssyncset.s32 $0xFFFFF086  }
0x25: {  	[simem:s6], [sflag:s4] =	dma.local [hbm:s3], $0xF7A  }
0x26: {  	[smem:$0x3F9F] =	sst s1;
	(tag) =	ssettag s2;
	_ =	strace s9  }
0x27: {  	s1 =	sld [smem:$0x3FAF]  }
0x28: {  	s2 =	sld [smem:$0x3FB0]  }
0x29: {  	s4 =	sld [smem:$0x3FB2]  }
0x2a: {  	p0 =	seq.s32 s5, $0x0;
	s5 =	sld [smem:$0x3FB3]  }
0x2b: {  	s6 =	sld [smem:$0x3FB4]  }
0x2c: {  	s7 =	sld [smem:$0x3FB5]  }
0x2d: {  	s3 =	simm.s32 $0x108;
	s8 =	sld [smem:$0x3FB6]  }
0x2e: {  	s3 =	simm.s32 @!p0 $0x1082;
	s9 =	sld [smem:$0x3FB7]  }
0x2f: {  	lr =	sadd.s32 s0, s3;
	s0 =	sld [smem:$0x3FAE]  }
0x30: {  	s3 =	sld [smem:$0x3FB1]  }
0x31: {  	[smem:$0x3FBA] =	sst s10  }
0x32: {  	s10 =	sld [smem:$0x3FB8];
	_ =	sdelay $0x3  }
0x33: {  	p0 =	seq.s32 s10, $0x1;
	s10 =	sld [smem:$0x3FBA];
	_ =	sdelay $0x3  }
0x34: {  	[smem:$0x3FBA] =	sst s10  }
0x35: {  	s10 =	sld [smem:$0x3FB9];
	_ =	sdelay $0x3  }
0x36: {  	p1 =	seq.s32 s10, $0x1;
	s10 =	sld [smem:$0x3FBA];
	_ =	sdelay $0x3  }
0x37: {  	[smem:$0x3FBA] =	sst s10  }
0x38: {  	s10 =	sld [smem:$0x3FBB]  }
0x39: {  	_ = 	snop;
	(pc) =	sbr.ind lr, $3  }
0x3a: {  	_ = 	snop  }
0x3b: {  	_ = 	snop  }
0x3c: {  	p2 =	seq.s32 s10, $0x1;
	s10 =	sld [smem:$0x3FBA]  }
0x3d: {  	_ =	shalt  }
0x3e: {  	_ =	shalt  }
0x3f: {  	_ =	shalt  }
0x40: {  	_ =	shalt  }
0x41: {  	_ =	shalt  }
0x42: {  	_ =	shalt  }
0x43: {  	_ =	shalt  }
0x44: {  	_ =	shalt  }
0x45: {  	_ =	shalt  }
0x46: {  	_ =	shalt  }
0x47: {  	_ =	shalt  }
0x48: {  	_ =	shalt  }
0x49: {  	_ =	shalt  }
0x4a: {  	_ =	shalt  }
0x4b: {  	_ =	shalt  }
0x4c: {  	_ =	shalt  }
0x4d: {  	_ =	shalt  }
0x4e: {  	_ =	shalt  }
0x4f: {  	_ =	shalt  }
0x50: {  	_ =	shalt  }
0x51: {  	_ =	shalt  }
0x52: {  	_ =	shalt  }
0x53: {  	_ =	shalt  }
0x54: {  	_ =	shalt  }
0x55: {  	_ =	shalt  }
0x56: {  	_ =	shalt  }
0x57: {  	_ =	shalt  }
0x58: {  	_ =	shalt  }
0x59: {  	_ =	shalt  }
0x5a: {  	_ =	shalt  }
0x5b: {  	_ =	shalt  }
0x5c: {  	_ =	shalt  }
0x5d: {  	_ =	shalt  }
0x5e: {  	_ =	shalt  }
0x5f: {  	_ =	shalt  }
0x60: {  	_ =	shalt  }
0x61: {  	_ =	shalt  }
0x62: {  	_ =	shalt  }
0x63: {  	_ =	shalt  }
0x64: {  	_ =	shalt  }
0x65: {  	_ =	shalt  }
0x66: {  	_ =	shalt  }
0x67: {  	_ =	shalt  }
0x68: {  	_ =	shalt  }
0x69: {  	_ =	shalt  }
0x6a: {  	_ =	shalt  }
0x6b: {  	_ =	shalt  }
0x6c: {  	_ =	shalt  }
0x6d: {  	_ =	shalt  }
0x6e: {  	_ =	shalt  }
0x6f: {  	_ =	shalt  }
0x70: {  	_ =	shalt  }
0x71: {  	_ =	shalt  }
0x72: {  	_ =	shalt  }
0x73: {  	_ =	shalt  }
0x74: {  	_ =	shalt  }
0x75: {  	_ =	shalt  }
0x76: {  	_ =	shalt  }
0x77: {  	_ =	shalt  }
0x78: {  	_ =	shalt  }
0x79: {  	_ =	shalt  }
0x7a: {  	_ =	shalt  }
0x7b: {  	_ =	shalt  }
0x7c: {  	_ =	shalt  }
0x7d: {  	_ =	shalt  }
0x7e: {  	_ =	shalt  }
0x7f: {  	_ =	shalt  }
0x80: {  	_ =	shalt  }
0x81: {  	_ =	shalt  }
0x82: {  	_ =	shalt  }
0x83: {  	_ =	shalt  }
0x84: {  	_ =	shalt  }
0x85: {  	_ =	shalt  }
0x86: {  	_ =	shalt  }
0x87: {  	_ =	shalt  }
.Lfunc_end0:
.L_simem_size_0:
called_computation_lowered:
.L_overlay_start_0:
0x88: {  	s2 =	sld [smem:$0x3FD9]  }
0x89: {  	s3 =	sld [smem:$0x3FFE];
	_ =	sdelay $0x1  }
0x8a: {  	s1 =	srdreg.scid  }
0x8b: {  	s0 =	sand.u32 $0x1, s1  }
0x8c: {  	s15 =	sshll.u32 s0, $0xA;
	s2 =	sadd.s32 s3, s2  }
0x8d: {  	s2 =	sadd.s32 s2, s15  }
0x8e: {  	[smem:$0x3FC6] =	sst s2  }
0x8f: {  	_ = 	snop  }
0x90: {  	s2 =	sld [smem:$0x3FD0];
	_ =	sdelay $0x1  }
0x91: {  	s16 =	sld [smem:$0x3FC9]  }
0x92: {  	s5 =	simm.s32 $0xA;
	s6 =	simm.s32 $0x10;
	s4 =	sld [smem:$0x3FC8]  }
0x93: {  	[smem:s6], [sflag:s5] =	dma.local [hbm:s2], $0x1  }
0x94: {  	_ =	swait.eq [sflag:s5], $0x1  }
0x95: {  	[sflag:s5] =	ssyncset.done $0x0  }
0x96: {  	[sflag:s5] =	ssyncadd.s32 $0xFFFFFFFF  }
0x97: {  	s17 =	sld [smem:$0x10];
	(tm) =	ssettm $0x1  }
0x98: {  	s18 =	sld [smem:$0x3FFB];
	_ =	sdelay $0x3  }
0x99: {  	_ =	strace s18  }
0x9a: {  	s5 =	sld [smem:$0x3FFC];
	_ =	sdelay $0x3  }
0x9b: {  	_ =	strace s5  }
0x9c: {  	s5 =	sld [smem:$0x3FFD];
	_ =	sdelay $0x3  }
0x9d: {  	_ =	strace s5  }
0x9e: {  	_ =	strace $0x8FFFFFFF  }
0x9f: {  	s19 =	sld [smem:$0x3FDB];
	_ =	sdelay $0x1  }
0xa0: {  	s20 =	simm.s32 $_scs_section_size  }
0xa1: {  	s7 =	simm.s32 $_size__tile_overlayer_lowered;
	s8 =	simm.s32 $_tile_overlayer_lowered  }
0xa2: {  	s23 =	simm.s32 $0x1BFF;
	s22 =	sshll.u32 s8, $0x1;
	s5 =	sadd.s32 s20, s19  }
0xa3: {  	s9 =	simm.s32 $0x0;
	s21 =	sshll.u32 s7, $0x1;
	s7 =	sadd.s32 s22, s5  }
0xa4: {  	[timem:s9], [sflag:s23] =	dma.local [hbm:s7], s21  }
0xa5: {  	_ =	swait.ge [sflag:s23], s21  }
0xa6: {  	s6 =	ssub.s32 $0x0, s21;
	[sflag:s23] =	ssyncset.done $0x0  }
0xa7: {  	[sflag:s23] =	ssyncadd.s32 s6;
	_ =	sdelay $0x1  }
0xa8: {  	s24 =	simm.s32 $0x1B8B  }
0xa9: {  	_ =	swait.ge [sflag:s24], $0x1  }
0xaa: {  	[sflag:s24] =	ssyncset.done $0x0  }
0xab: {  	s25 =	simm.s32 $0x1B8E;
	[sflag:s24] =	ssyncadd.s32 $0xFFFFFFFF  }
0xac: {  	s26 =	simm.s32 $execute0_lowered;
	[smem:$0x3FD2] =	sst s25  }
0xad: {  	s6 =	sshll.u32 s26, $0x1;
	_ =	strace $0x80000046;
	[dreg:$0x1] =	wrdreg $0xFFFFFFFF  }
0xae: {  	s28 =	simm.s32 $_size_execute0_lowered;
	s5 =	sadd.s32 s5, s6;
	[dreg:$0x0] =	wrdreg $0x0  }
0xaf: {  	s6 =	sshll.u32 s28, $0x1;
	[dreg:$0x2] =	wrdreg s5  }
0xb0: {  	[dreg:$0x3] =	wrdreg s6  }
0xb1: {  	[dreg:$0x4] =	wrdreg $0xC0  }
0xb2: {  	_ =	task [dreg:s9], $0x5FFFF  }
0xb3: {  	[dreg:$0x1] =	wrdreg $0xFFFFFFFF  }
0xb4: {  	[dreg:$0x0] =	wrdreg $0x60  }
0xb5: {  	[dreg:$0x2] =	wrdreg s4  }
0xb6: {  	[dreg:$0x3] =	wrdreg s16  }
0xb7: {  	[dreg:$0x4] =	wrdreg s17  }
0xb8: {  	[dreg:$0x5] =	wrdreg $0x9  }
0xb9: {  	_ =	task.clear_ibuf [dreg:s9], $0x6FFFF;
	_ =	strace $0x90000046  }
0xba: {  	s29 =	simm.s32 $0x9;
	_ =	strace $0x80000048  }
0xbb: {  	_ =	swait.ge [sflag:s29], $0x1  }
0xbc: {  	[sflag:s29] =	ssyncadd.s32 $0xFFFFFFFF  }
0xbd: {  	_ =	strace $0x90000048  }
0xbe: {  	_ =	sfence  }
0xbf: {  	s30 =	sld [smem:$0x0];
	_ =	sdelay $0x2  }
0xc0: {  	s31 =	sshll.u32 s1, $0xD;
	s1 =	sshrl.u32 s1, $0x2  }
0xc1: {  	s3 =	sand.u32 $0x4000, s31;
	s1 =	sadd.s32 s1, s30  }
0xc2: {  	s0 =	sor.u32 s3, s0;
	s1 =	sshll.u32 s1, $0x11  }
0xc3: {  	s0 =	sor.u32 s1, s0  }
0xc4: {  	s0 =	sadd.s32 $0x8F2B, s0  }
0xc5: {  	[sflag:s0] =	ssyncadd.remote.s32 $0x1  }
0xc6: {  	_ =	sfence.sel $0xFFFF  }
0xc7: {  	[dreg:$0x0] =	wrdreg $0xFFFFFFFF;
	(pc) =	sbr.abs _section_cstart, $3  }
0xc8: {  	[dreg:$0x1] =	wrdreg $0xFFFFFFFF  }
0xc9: {  	_ =	task.clear_ibuf [dreg:s9], $0x2FFFF;
	_ =	strace $0x9FFFFFFF  }
0xca: {  	(tm) =	ssettm $0x7FFFFFFF  }
0xcb: {  	_ =	shalt  }
tec
execute0_lowered:
.L_overlay_start_1:
0x0: {  	(tag) =	ssettag $0x1  }
0x1: {  	s1 =	rddreg [dreg:$0x0]  }
0x2: {  	s3 =	rddreg [dreg:$0x1]  }
0x3: {  	s4 =	rddreg [dreg:$0x2];
	s5 =	simm.s32 $0x0  }
0x4: {  	s6 =	stileid.u32;
	s2 =	srdreg.scid;
	s17 =	simm.s32 $0x80  }
0x5: {  	s18 =	simm.s32 $0x400;
	s20 =	simm.s32 $0x1;
	s21 =	simm.s32 $0x4  }
0x6: {  	s22 =	simm.s32 $0x1C700;
	s23 =	simm.s32 $0x1D700;
	s24 =	simm.s32 $0x2  }
0x7: {  	s25 =	simm.s32 $0x3;
	[smem:$0x7FF] =	sst s5;
	s7 =	sshrl.u32 s6, $0x3  }
0x8: {  	s0 =	sshll.u32 s6, $0x1;
	s2 =	sand.u32 $0x1, s2;
	s6 =	smul.u32 $0x34000, s7  }
0x9: {  	s12 =	sadd.s32 $0x1000, s4;
	s13 =	sadd.s32 $0x2000, s4;
	s28 =	smul.u32 $0x27B6000, s7  }
0xa: {  	s0 =	sand.u32 $0xE, s0;
	_ =	strace $0x80000047;
	s29 =	smul.u32 $0x280, s7  }
0xb: {  	s9 =	ssub.s32 $0x2, s2;
	s7 =	smul.u32 $0xD, s7;
	s8 =	sshrl.u32 s0, $0x2  }
0xc: {  	s26 =	sshrl.u32 s9, $0x1;
	s0 =	sor.u32 s2, s0;
	s15 =	smul.u32 $0xC3800, s8  }
0xd: {  	s9 =	ssub.s32 s9, s26;
	s10 =	sshll.u32 s0, $0x8;
	s11 =	sand.u32 $0x20000, s6  }
0xe: {  	s8 =	sshll.u32 s0, $0xF;
	s26 =	simm.s32 $0x0;
	s6 =	sand.u32 $0x300, s10  }
0xf: {  	s30 =	sor.u32 s29, s11;
	s16 =	smax.u32 s9, $0x1;
	s2 =	sadd.s32 s28, s15  }
0x10: {  	s31 =	sshrl.u32 s30, $0x3;
	s11 =	sor.u32 s6, s15;
	s2 =	sor.u32 s6, s2  }
0x11: {  	s14 =	sor.u32 $0x80, s6;
	s0 =	sadd.s32 s3, s31;
	s2 =	sshrl.u32 s2, $0x3  }
0x12: {  	s15 =	sor.u32 s14, s15;
	[dreg:$0x4] =	wrdreg s0;
	s10 =	sadd.s32 s1, s2  }
.LBB2_1:
0x13: {  	s0 =	rddreg [dreg:$0x4];
	s2 =	simm.s32 $0x18700  }
0x14: {  	[tilespmem:s2], [sflag:$0x1] =	stream.strided.gather [hbm4b:s0+s17], $0x4000, s18, s17, $0x38;
	[tilespmem:$0x1E700] =	vst v63  }
0x15: {  	s28 =	simm.s32 $0x0  }
0x16: {  	[tilespmem:s5], [sflag:$0x4] =	stream.strided.gather [hbm4b:s10+s17], $0x18700, s18, s17, $0x38;
	[tilespmem:$0x1E700] =	vst v63  }
.LBB2_2:
0x17: {  	_ =	swait.ge [sflag:s20], $0x4000  }
0x18: {  	[sflag:s20] =	ssyncset.done $0x0  }
0x19: {  	[sflag:s20] =	ssyncadd.s32 $0xFFFFC000  }
0x1a: {  	_ =	swait.ge [sflag:s21], $0x18700  }
0x1b: {  	[sflag:s21] =	ssyncset.done $0x0  }
0x1c: {  	s0 =	simm.s32 $0x18740;
	[sflag:s21] =	ssyncadd.s32 $0xFFFE7900  }
0x1d: {  	v0 =	vld [tilespmem:s0+$0x30]  }
0x1e: {  	v1 =	vld [tilespmem:s0+$0xFFFFFFD0]  }
0x1f: {  	v2 =	vld [tilespmem:s0+$0xFFFFFFE0]  }
0x20: {  	v3 =	vld [tilespmem:s0+$0xFFFFFFF0]  }
0x21: {  	v4 =	vld [tilespmem:s0+$0x0]  }
0x22: {  	v5 =	vld [tilespmem:s0+$0x10]  }
0x23: {  	v6 =	vld [tilespmem:s0+$0x20]  }
0x24: {  	s31 =	simm.s32 $0x187C0;
	v7 =	vld [tilespmem:s0+$0xFFFFFFC0]  }
0x25: {  	v8 =	vld [tilespmem:s31+$0x30]  }
0x26: {  	v9 =	vld [tilespmem:s31+$0xFFFFFFD0];
	v0 =	vtrunc.f32 v0  }
0x27: {  	v10 =	vld [tilespmem:s31+$0xFFFFFFE0];
	v1 =	vtrunc.f32 v1;
	v0 =	vcvt.f32.s32 v0  }
0x28: {  	v11 =	vld [tilespmem:s31+$0xFFFFFFF0];
	v2 =	vtrunc.f32 v2;
	v1 =	vcvt.f32.s32 v1  }
0x29: {  	v12 =	vld [tilespmem:s31+$0x0];
	v3 =	vtrunc.f32 v3;
	v2 =	vcvt.f32.s32 v2  }
0x2a: {  	v13 =	vld [tilespmem:s31+$0x10];
	v7 =	vtrunc.f32 v7;
	v3 =	vcvt.f32.s32 v3  }
0x2b: {  	v14 =	vld [tilespmem:s31+$0x20];
	v4 =	vtrunc.f32 v4;
	v7 =	vcvt.f32.s32 v7  }
0x2c: {  	v15 =	vld [tilespmem:s31+$0xFFFFFFC0];
	v5 =	vtrunc.f32 v5;
	v4 =	vcvt.f32.s32 v4  }
0x2d: {  	v6 =	vtrunc.f32 v6;
	v5 =	vcvt.f32.s32 v5;
	v0 =	vld.idx.msk [tilespmem:v0+s5+$0x0], $0xffff  }
0x2e: {  	v8 =	vtrunc.f32 v8;
	v6 =	vcvt.f32.s32 v6;
	v1 =	vld.idx.msk [tilespmem:v1+s5+$0x0], $0xffff  }
0x2f: {  	v9 =	vtrunc.f32 v9;
	v8 =	vcvt.f32.s32 v8;
	v2 =	vld.idx.msk [tilespmem:v2+s5+$0x0], $0xffff  }
0x30: {  	v10 =	vtrunc.f32 v10;
	v9 =	vcvt.f32.s32 v9;
	v3 =	vld.idx.msk [tilespmem:v3+s5+$0x0], $0xffff  }
0x31: {  	v11 =	vtrunc.f32 v11;
	v10 =	vcvt.f32.s32 v10;
	v16 =	vld.idx.msk [tilespmem:v7+s5+$0x0], $0xffff  }
0x32: {  	s0 =	simm.s32 $0x1C740;
	v11 =	vcvt.f32.s32 v11;
	v17 =	vld.idx.msk [tilespmem:v4+s5+$0x0], $0xffff  }
0x33: {  	v4 =	vld.idx.msk [tilespmem:v5+s5+$0x0], $0xffff;
	[tilespmem:s0+$0x30] =	vst v0  }
0x34: {  	v5 =	vld.idx.msk [tilespmem:v6+s5+$0x0], $0xffff;
	[tilespmem:s0+$0xFFFFFFD0] =	vst v1  }
0x35: {  	v6 =	vld.idx.msk [tilespmem:v8+s5+$0x0], $0xffff;
	[tilespmem:s0+$0xFFFFFFE0] =	vst v2;
	v0 =	vtrunc.f32 v12;
	v2 =	vtrunc.f32 v13  }
0x36: {  	v8 =	vld.idx.msk [tilespmem:v9+s5+$0x0], $0xffff;
	[tilespmem:s0+$0xFFFFFFF0] =	vst v3;
	v3 =	vtrunc.f32 v15;
	v1 =	vcvt.f32.s32 v0  }
0x37: {  	v7 =	vld.idx.msk [tilespmem:v10+s5+$0x0], $0xffff;
	[tilespmem:s0+$0xFFFFFFC0] =	vst v16;
	v0 =	vcvt.f32.s32 v2;
	v2 =	vtrunc.f32 v14  }
0x38: {  	s2 =	simm.s32 $0x80;
	s19 =	simm.s32 $0x18840;
	v9 =	vld.idx.msk [tilespmem:v11+s5+$0x0], $0xffff;
	[tilespmem:s0+$0x0] =	vst v17;
	v3 =	vcvt.f32.s32 v3;
	v2 =	vcvt.f32.s32 v2  }
.LBB2_3:
0x39: {  	v10 =	vld [tilespmem:s19+$0x30];
	s2 =	sadd.s32 $0x80, s2;
	[tilespmem:s0+$0x10] =	vst v4  }
0x3a: {  	v4 =	vld [tilespmem:s19+$0xFFFFFFD0];
	p0 =	slt.u32 s2, $0xF80;
	[tilespmem:s0+$0x20] =	vst v5;
	s0 =	sadd.s32 $0x80, s0  }
0x3b: {  	v5 =	vld [tilespmem:s19+$0xFFFFFFE0];
	[tilespmem:s0+$0x30] =	vst v6  }
0x3c: {  	v6 =	vld [tilespmem:s19+$0xFFFFFFF0];
	[tilespmem:s0+$0xFFFFFFD0] =	vst v8  }
0x3d: {  	v8 =	vld [tilespmem:s19+$0x0];
	[tilespmem:s0+$0xFFFFFFE0] =	vst v7  }
0x3e: {  	v7 =	vld [tilespmem:s19+$0x10];
	v10 =	vtrunc.f32 v10;
	[tilespmem:s0+$0xFFFFFFF0] =	vst v9  }
0x3f: {  	v4 =	vtrunc.f32 v4;
	v9 =	vld [tilespmem:s19+$0x20];
	v10 =	vcvt.f32.s32 v10  }
0x40: {  	v11 =	vld [tilespmem:s19+$0xFFFFFFC0];
	v12 =	vcvt.f32.s32 v4;
	v4 =	vtrunc.f32 v5  }
0x41: {  	v13 =	vcvt.f32.s32 v4;
	v4 =	vtrunc.f32 v6;
	v14 =	vld.idx.msk [tilespmem:v3+s5+$0x0], $0xffff  }
0x42: {  	v15 =	vcvt.f32.s32 v4;
	v3 =	vtrunc.f32 v8;
	v16 =	vld.idx.msk [tilespmem:v1+s5+$0x0], $0xffff  }
0x43: {  	v1 =	vcvt.f32.s32 v3;
	v3 =	vtrunc.f32 v7;
	v4 =	vld.idx.msk [tilespmem:v0+s5+$0x0], $0xffff  }
.Ltmp0:
0x44: {  	v0 =	vcvt.f32.s32 v3;
	v3 =	vtrunc.f32 v9;
	v5 =	vld.idx.msk [tilespmem:v2+s5+$0x0], $0xffff;
	(pc) =	sbr.rel @p0 .LBB2_3-.Ltmp0, $4  }
0x45: {  	v7 =	vtrunc.f32 v11;
	v2 =	vcvt.f32.s32 v3;
	v6 =	vld.idx.msk [tilespmem:v10+s5+$0x0], $0xffff  }
0x46: {  	v3 =	vcvt.f32.s32 v7;
	v8 =	vld.idx.msk [tilespmem:v12+s5+$0x0], $0xffff  }
0x47: {  	v7 =	vld.idx.msk [tilespmem:v13+s5+$0x0], $0xffff;
	[tilespmem:s0+$0xFFFFFFC0] =	vst v14  }
0x48: {  	s19 =	sadd.s32 $0x80, s19;
	v9 =	vld.idx.msk [tilespmem:v15+s5+$0x0], $0xffff;
	[tilespmem:s0+$0x0] =	vst v16  }
0x49: {  	_ =	sdelay $0x2  }
0x4a: {  	[tilespmem:s0+$0x10] =	vst v4  }
0x4b: {  	[tilespmem:s0+$0x20] =	vst v5;
	s2 =	sadd.s32 $0x80, s0;
	v3 =	vld.idx.msk [tilespmem:v3+s5+$0x0], $0xffff  }
0x4c: {  	v1 =	vld.idx.msk [tilespmem:v1+s5+$0x0], $0xffff;
	[tilespmem:s2+$0x30] =	vst v6  }
0x4d: {  	v0 =	vld.idx.msk [tilespmem:v0+s5+$0x0], $0xffff;
	s29 =	sadd.s32 s7, s28;
	[tilespmem:s2+$0xFFFFFFD0] =	vst v8  }
0x4e: {  	v2 =	vld.idx.msk [tilespmem:v2+s5+$0x0], $0xffff;
	s19 =	sshll.u32 s29, $0x13;
	[tilespmem:s2+$0xFFFFFFE0] =	vst v7  }
0x4f: {  	s30 =	sor.u32 s8, s19;
	[tilespmem:s2+$0xFFFFFFF0] =	vst v9  }
0x50: {  	s31 =	sand.u32 $0x7FFE0000, s30;
	[tilespmem:s2+$0xFFFFFFC0] =	vst v3  }
0x51: {  	s9 =	sor.u32 s6, s31;
	[tilespmem:s2+$0x0] =	vst v1  }
0x52: {  	[tilespmem:s2+$0x10] =	vst v0;
	s0 =	sshrl.u32 s9, $0x3  }
0x53: {  	[tilespmem:s2+$0x20] =	vst v2;
	s9 =	simm.s32 $0x19770;
	s19 =	sadd.s32 s4, s0  }
0x54: {  	[hbm4b:s19+s17] =	stream.strided.scatter [tilespmem:s22], [sflag:$0x2], $0x1000, s18, s17, $0x38;
	[tilespmem:$0x1E700] =	vst v63  }
0x55: {  	v0 =	vld [tilespmem:s9+$0x0]  }
0x56: {  	v1 =	vld [tilespmem:s9+$0xFFFFFFA0]  }
0x57: {  	v2 =	vld [tilespmem:s9+$0xFFFFFFB0]  }
0x58: {  	v3 =	vld [tilespmem:s9+$0xFFFFFFC0]  }
0x59: {  	v4 =	vld [tilespmem:s9+$0xFFFFFFD0]  }
0x5a: {  	v5 =	vld [tilespmem:s9+$0xFFFFFFE0]  }
0x5b: {  	v6 =	vld [tilespmem:s9+$0xFFFFFFF0]  }
0x5c: {  	s19 =	simm.s32 $0x197F0;
	v7 =	vld [tilespmem:s9+$0xFFFFFF90]  }
0x5d: {  	v8 =	vld [tilespmem:s19+$0x0]  }
0x5e: {  	v9 =	vld [tilespmem:s19+$0xFFFFFFA0];
	v0 =	vtrunc.f32 v0  }
0x5f: {  	v10 =	vld [tilespmem:s19+$0xFFFFFFB0];
	v1 =	vtrunc.f32 v1;
	v0 =	vcvt.f32.s32 v0  }
0x60: {  	v11 =	vld [tilespmem:s19+$0xFFFFFFC0];
	v2 =	vtrunc.f32 v2;
	v1 =	vcvt.f32.s32 v1  }
0x61: {  	v12 =	vld [tilespmem:s19+$0xFFFFFFD0];
	v3 =	vtrunc.f32 v3;
	v2 =	vcvt.f32.s32 v2  }
0x62: {  	v13 =	vld [tilespmem:s19+$0xFFFFFFE0];
	v7 =	vtrunc.f32 v7;
	v3 =	vcvt.f32.s32 v3  }
0x63: {  	v14 =	vld [tilespmem:s19+$0xFFFFFFF0];
	v4 =	vtrunc.f32 v4;
	v7 =	vcvt.f32.s32 v7  }
0x64: {  	v15 =	vld [tilespmem:s19+$0xFFFFFF90];
	v5 =	vtrunc.f32 v5;
	v4 =	vcvt.f32.s32 v4  }
0x65: {  	v6 =	vtrunc.f32 v6;
	v5 =	vcvt.f32.s32 v5;
	v0 =	vld.idx.msk [tilespmem:v0+s5+$0x0], $0xffff  }
0x66: {  	v8 =	vtrunc.f32 v8;
	v6 =	vcvt.f32.s32 v6;
	v1 =	vld.idx.msk [tilespmem:v1+s5+$0x0], $0xffff  }
0x67: {  	v9 =	vtrunc.f32 v9;
	v8 =	vcvt.f32.s32 v8;
	v2 =	vld.idx.msk [tilespmem:v2+s5+$0x0], $0xffff  }
0x68: {  	v10 =	vtrunc.f32 v10;
	v9 =	vcvt.f32.s32 v9;
	v3 =	vld.idx.msk [tilespmem:v3+s5+$0x0], $0xffff  }
0x69: {  	v11 =	vtrunc.f32 v11;
	v10 =	vcvt.f32.s32 v10;
	v16 =	vld.idx.msk [tilespmem:v7+s5+$0x0], $0xffff  }
0x6a: {  	s2 =	simm.s32 $0x1D740;
	v11 =	vcvt.f32.s32 v11;
	v17 =	vld.idx.msk [tilespmem:v4+s5+$0x0], $0xffff  }
0x6b: {  	v4 =	vld.idx.msk [tilespmem:v5+s5+$0x0], $0xffff;
	[tilespmem:s2+$0x30] =	vst v0  }
0x6c: {  	v5 =	vld.idx.msk [tilespmem:v6+s5+$0x0], $0xffff;
	[tilespmem:s2+$0xFFFFFFD0] =	vst v1  }
0x6d: {  	v6 =	vld.idx.msk [tilespmem:v8+s5+$0x0], $0xffff;
	[tilespmem:s2+$0xFFFFFFE0] =	vst v2;
	v0 =	vtrunc.f32 v12;
	v2 =	vtrunc.f32 v13  }
0x6e: {  	v7 =	vld.idx.msk [tilespmem:v9+s5+$0x0], $0xffff;
	[tilespmem:s2+$0xFFFFFFF0] =	vst v3;
	v3 =	vtrunc.f32 v15;
	v1 =	vcvt.f32.s32 v0  }
0x6f: {  	v8 =	vld.idx.msk [tilespmem:v10+s5+$0x0], $0xffff;
	[tilespmem:s2+$0xFFFFFFC0] =	vst v16;
	v0 =	vcvt.f32.s32 v2;
	v2 =	vtrunc.f32 v14  }
0x70: {  	s19 =	simm.s32 $0x80;
	s9 =	simm.s32 $0x19870;
	v9 =	vld.idx.msk [tilespmem:v11+s5+$0x0], $0xffff;
	[tilespmem:s2+$0x0] =	vst v17;
	v3 =	vcvt.f32.s32 v3;
	v2 =	vcvt.f32.s32 v2  }
.LBB2_5:
0x71: {  	v10 =	vld [tilespmem:s9+$0x0];
	s19 =	sadd.s32 $0x80, s19;
	[tilespmem:s2+$0x10] =	vst v4  }
0x72: {  	v4 =	vld [tilespmem:s9+$0xFFFFFFA0];
	p0 =	slt.u32 s19, $0xF80;
	[tilespmem:s2+$0x20] =	vst v5;
	s2 =	sadd.s32 $0x80, s2  }
0x73: {  	v5 =	vld [tilespmem:s9+$0xFFFFFFB0];
	[tilespmem:s2+$0x30] =	vst v6  }
0x74: {  	v6 =	vld [tilespmem:s9+$0xFFFFFFC0];
	[tilespmem:s2+$0xFFFFFFD0] =	vst v7  }
0x75: {  	v7 =	vld [tilespmem:s9+$0xFFFFFFD0];
	[tilespmem:s2+$0xFFFFFFE0] =	vst v8  }
0x76: {  	v8 =	vld [tilespmem:s9+$0xFFFFFFE0];
	v10 =	vtrunc.f32 v10;
	[tilespmem:s2+$0xFFFFFFF0] =	vst v9  }
0x77: {  	v4 =	vtrunc.f32 v4;
	v9 =	vld [tilespmem:s9+$0xFFFFFFF0];
	v10 =	vcvt.f32.s32 v10  }
0x78: {  	v11 =	vld [tilespmem:s9+$0xFFFFFF90];
	v12 =	vcvt.f32.s32 v4;
	v4 =	vtrunc.f32 v5  }
0x79: {  	v13 =	vcvt.f32.s32 v4;
	v4 =	vtrunc.f32 v6;
	v14 =	vld.idx.msk [tilespmem:v3+s5+$0x0], $0xffff  }
0x7a: {  	v15 =	vcvt.f32.s32 v4;
	v3 =	vtrunc.f32 v7;
	v16 =	vld.idx.msk [tilespmem:v1+s5+$0x0], $0xffff  }
0x7b: {  	v1 =	vcvt.f32.s32 v3;
	v3 =	vtrunc.f32 v8;
	v4 =	vld.idx.msk [tilespmem:v0+s5+$0x0], $0xffff  }
.Ltmp1:
0x7c: {  	v0 =	vcvt.f32.s32 v3;
	v3 =	vtrunc.f32 v9;
	v5 =	vld.idx.msk [tilespmem:v2+s5+$0x0], $0xffff;
	(pc) =	sbr.rel @p0 .LBB2_5-.Ltmp1, $4  }
0x7d: {  	v7 =	vtrunc.f32 v11;
	v2 =	vcvt.f32.s32 v3;
	v6 =	vld.idx.msk [tilespmem:v10+s5+$0x0], $0xffff  }
0x7e: {  	v3 =	vcvt.f32.s32 v7;
	v7 =	vld.idx.msk [tilespmem:v12+s5+$0x0], $0xffff  }
0x7f: {  	v8 =	vld.idx.msk [tilespmem:v13+s5+$0x0], $0xffff;
	[tilespmem:s2+$0xFFFFFFC0] =	vst v14  }
0x80: {  	s9 =	sadd.s32 $0x80, s9;
	v9 =	vld.idx.msk [tilespmem:v15+s5+$0x0], $0xffff;
	[tilespmem:s2+$0x0] =	vst v16  }
0x81: {  	_ =	sdelay $0x2  }
0x82: {  	[tilespmem:s2+$0x10] =	vst v4  }
0x83: {  	[tilespmem:s2+$0x20] =	vst v5;
	s9 =	sadd.s32 $0x80, s2;
	v3 =	vld.idx.msk [tilespmem:v3+s5+$0x0], $0xffff  }
0x84: {  	v1 =	vld.idx.msk [tilespmem:v1+s5+$0x0], $0xffff;
	[tilespmem:s9+$0x30] =	vst v6  }
0x85: {  	v0 =	vld.idx.msk [tilespmem:v0+s5+$0x0], $0xffff;
	[tilespmem:s9+$0xFFFFFFD0] =	vst v7  }
0x86: {  	v2 =	vld.idx.msk [tilespmem:v2+s5+$0x0], $0xffff;
	[tilespmem:s9+$0xFFFFFFE0] =	vst v8  }
0x87: {  	[tilespmem:s9+$0xFFFFFFF0] =	vst v9  }
0x88: {  	[tilespmem:s9+$0xFFFFFFC0] =	vst v3  }
0x89: {  	[tilespmem:s9+$0x0] =	vst v1  }
0x8a: {  	[tilespmem:s9+$0x10] =	vst v0  }
0x8b: {  	s19 =	sadd.s32 s0, s12;
	[tilespmem:s9+$0x20] =	vst v2  }
0x8c: {  	[hbm4b:s19+s17] =	stream.strided.scatter [tilespmem:s23], [sflag:$0x3], $0x1000, s18, s17, $0x38;
	[tilespmem:$0x1E700] =	vst v63  }
0x8d: {  	_ =	swait.ge [sflag:s24], $0x1000  }
0x8e: {  	[sflag:s24] =	ssyncset.done $0x0  }
0x8f: {  	s9 =	simm.s32 $0x1A770;
	[sflag:s24] =	ssyncadd.s32 $0xFFFFF000  }
0x90: {  	v0 =	vld [tilespmem:s9+$0x0]  }
0x91: {  	v1 =	vld [tilespmem:s9+$0xFFFFFFA0]  }
0x92: {  	v2 =	vld [tilespmem:s9+$0xFFFFFFB0]  }
0x93: {  	v3 =	vld [tilespmem:s9+$0xFFFFFFC0]  }
0x94: {  	v4 =	vld [tilespmem:s9+$0xFFFFFFD0]  }
0x95: {  	v5 =	vld [tilespmem:s9+$0xFFFFFFE0]  }
0x96: {  	v6 =	vld [tilespmem:s9+$0xFFFFFFF0]  }
0x97: {  	s19 =	simm.s32 $0x1A7F0;
	v7 =	vld [tilespmem:s9+$0xFFFFFF90]  }
0x98: {  	v8 =	vld [tilespmem:s19+$0x0]  }
0x99: {  	v9 =	vld [tilespmem:s19+$0xFFFFFFA0];
	v0 =	vtrunc.f32 v0  }
0x9a: {  	v10 =	vld [tilespmem:s19+$0xFFFFFFB0];
	v1 =	vtrunc.f32 v1;
	v0 =	vcvt.f32.s32 v0  }
0x9b: {  	v11 =	vld [tilespmem:s19+$0xFFFFFFC0];
	v2 =	vtrunc.f32 v2;
	v1 =	vcvt.f32.s32 v1  }
0x9c: {  	v12 =	vld [tilespmem:s19+$0xFFFFFFD0];
	v3 =	vtrunc.f32 v3;
	v2 =	vcvt.f32.s32 v2  }
0x9d: {  	v13 =	vld [tilespmem:s19+$0xFFFFFFE0];
	v7 =	vtrunc.f32 v7;
	v3 =	vcvt.f32.s32 v3  }
0x9e: {  	v14 =	vld [tilespmem:s19+$0xFFFFFFF0];
	v4 =	vtrunc.f32 v4;
	v7 =	vcvt.f32.s32 v7  }
0x9f: {  	v15 =	vld [tilespmem:s19+$0xFFFFFF90];
	v5 =	vtrunc.f32 v5;
	v4 =	vcvt.f32.s32 v4  }
0xa0: {  	v6 =	vtrunc.f32 v6;
	v5 =	vcvt.f32.s32 v5;
	v0 =	vld.idx.msk [tilespmem:v0+s5+$0x0], $0xffff  }
0xa1: {  	v8 =	vtrunc.f32 v8;
	v6 =	vcvt.f32.s32 v6;
	v1 =	vld.idx.msk [tilespmem:v1+s5+$0x0], $0xffff  }
0xa2: {  	v9 =	vtrunc.f32 v9;
	v8 =	vcvt.f32.s32 v8;
	v2 =	vld.idx.msk [tilespmem:v2+s5+$0x0], $0xffff  }
0xa3: {  	v10 =	vtrunc.f32 v10;
	v9 =	vcvt.f32.s32 v9;
	v3 =	vld.idx.msk [tilespmem:v3+s5+$0x0], $0xffff  }
0xa4: {  	v11 =	vtrunc.f32 v11;
	v10 =	vcvt.f32.s32 v10;
	v16 =	vld.idx.msk [tilespmem:v7+s5+$0x0], $0xffff  }
0xa5: {  	s2 =	simm.s32 $0x1C740;
	v11 =	vcvt.f32.s32 v11;
	v17 =	vld.idx.msk [tilespmem:v4+s5+$0x0], $0xffff  }
0xa6: {  	v4 =	vld.idx.msk [tilespmem:v5+s5+$0x0], $0xffff;
	[tilespmem:s2+$0x30] =	vst v0  }
0xa7: {  	v5 =	vld.idx.msk [tilespmem:v6+s5+$0x0], $0xffff;
	[tilespmem:s2+$0xFFFFFFD0] =	vst v1  }
0xa8: {  	v6 =	vld.idx.msk [tilespmem:v8+s5+$0x0], $0xffff;
	[tilespmem:s2+$0xFFFFFFE0] =	vst v2;
	v0 =	vtrunc.f32 v12;
	v2 =	vtrunc.f32 v13  }
0xa9: {  	v7 =	vld.idx.msk [tilespmem:v9+s5+$0x0], $0xffff;
	[tilespmem:s2+$0xFFFFFFF0] =	vst v3;
	v3 =	vtrunc.f32 v15;
	v1 =	vcvt.f32.s32 v0  }
0xaa: {  	v8 =	vld.idx.msk [tilespmem:v10+s5+$0x0], $0xffff;
	[tilespmem:s2+$0xFFFFFFC0] =	vst v16;
	v0 =	vcvt.f32.s32 v2;
	v2 =	vtrunc.f32 v14  }
0xab: {  	s19 =	simm.s32 $0x80;
	s9 =	simm.s32 $0x1A870;
	v9 =	vld.idx.msk [tilespmem:v11+s5+$0x0], $0xffff;
	[tilespmem:s2+$0x0] =	vst v17;
	v3 =	vcvt.f32.s32 v3;
	v2 =	vcvt.f32.s32 v2  }
.LBB2_7:
0xac: {  	v10 =	vld [tilespmem:s9+$0x0];
	s19 =	sadd.s32 $0x80, s19;
	[tilespmem:s2+$0x10] =	vst v4  }
0xad: {  	v4 =	vld [tilespmem:s9+$0xFFFFFFA0];
	p0 =	slt.u32 s19, $0xF80;
	[tilespmem:s2+$0x20] =	vst v5;
	s2 =	sadd.s32 $0x80, s2  }
0xae: {  	v5 =	vld [tilespmem:s9+$0xFFFFFFB0];
	[tilespmem:s2+$0x30] =	vst v6  }
0xaf: {  	v6 =	vld [tilespmem:s9+$0xFFFFFFC0];
	[tilespmem:s2+$0xFFFFFFD0] =	vst v7  }
0xb0: {  	v7 =	vld [tilespmem:s9+$0xFFFFFFD0];
	[tilespmem:s2+$0xFFFFFFE0] =	vst v8  }
0xb1: {  	v8 =	vld [tilespmem:s9+$0xFFFFFFE0];
	v10 =	vtrunc.f32 v10;
	[tilespmem:s2+$0xFFFFFFF0] =	vst v9  }
0xb2: {  	v4 =	vtrunc.f32 v4;
	v9 =	vld [tilespmem:s9+$0xFFFFFFF0];
	v10 =	vcvt.f32.s32 v10  }
0xb3: {  	v11 =	vld [tilespmem:s9+$0xFFFFFF90];
	v12 =	vcvt.f32.s32 v4;
	v4 =	vtrunc.f32 v5  }
0xb4: {  	v13 =	vcvt.f32.s32 v4;
	v4 =	vtrunc.f32 v6;
	v14 =	vld.idx.msk [tilespmem:v3+s5+$0x0], $0xffff  }
0xb5: {  	v15 =	vcvt.f32.s32 v4;
	v3 =	vtrunc.f32 v7;
	v16 =	vld.idx.msk [tilespmem:v1+s5+$0x0], $0xffff  }
0xb6: {  	v1 =	vcvt.f32.s32 v3;
	v3 =	vtrunc.f32 v8;
	v4 =	vld.idx.msk [tilespmem:v0+s5+$0x0], $0xffff  }
.Ltmp2:
0xb7: {  	v0 =	vcvt.f32.s32 v3;
	v3 =	vtrunc.f32 v9;
	v5 =	vld.idx.msk [tilespmem:v2+s5+$0x0], $0xffff;
	(pc) =	sbr.rel @p0 .LBB2_7-.Ltmp2, $4  }
0xb8: {  	v7 =	vtrunc.f32 v11;
	v2 =	vcvt.f32.s32 v3;
	v6 =	vld.idx.msk [tilespmem:v10+s5+$0x0], $0xffff  }
0xb9: {  	v3 =	vcvt.f32.s32 v7;
	v7 =	vld.idx.msk [tilespmem:v12+s5+$0x0], $0xffff  }
0xba: {  	v8 =	vld.idx.msk [tilespmem:v13+s5+$0x0], $0xffff;
	[tilespmem:s2+$0xFFFFFFC0] =	vst v14  }
0xbb: {  	s9 =	sadd.s32 $0x80, s9;
	v9 =	vld.idx.msk [tilespmem:v15+s5+$0x0], $0xffff;
	[tilespmem:s2+$0x0] =	vst v16  }
0xbc: {  	_ =	sdelay $0x2  }
0xbd: {  	[tilespmem:s2+$0x10] =	vst v4  }
0xbe: {  	[tilespmem:s2+$0x20] =	vst v5;
	s19 =	sadd.s32 $0x80, s2;
	v3 =	vld.idx.msk [tilespmem:v3+s5+$0x0], $0xffff  }
0xbf: {  	v1 =	vld.idx.msk [tilespmem:v1+s5+$0x0], $0xffff;
	[tilespmem:s19+$0x30] =	vst v6  }
0xc0: {  	v0 =	vld.idx.msk [tilespmem:v0+s5+$0x0], $0xffff;
	[tilespmem:s19+$0xFFFFFFD0] =	vst v7  }
0xc1: {  	v2 =	vld.idx.msk [tilespmem:v2+s5+$0x0], $0xffff;
	[tilespmem:s19+$0xFFFFFFE0] =	vst v8  }
0xc2: {  	[tilespmem:s19+$0xFFFFFFF0] =	vst v9  }
0xc3: {  	[tilespmem:s19+$0xFFFFFFC0] =	vst v3  }
0xc4: {  	[tilespmem:s19+$0x0] =	vst v1  }
0xc5: {  	[tilespmem:s19+$0x10] =	vst v0  }
0xc6: {  	s0 =	sadd.s32 s0, s13;
	[tilespmem:s19+$0x20] =	vst v2  }
0xc7: {  	[hbm4b:s0+s17] =	stream.strided.scatter [tilespmem:s22], [sflag:$0x2], $0x1000, s18, s17, $0x38;
	[tilespmem:$0x1E700] =	vst v63  }
0xc8: {  	_ =	swait.ge [sflag:s25], $0x1000  }
0xc9: {  	[sflag:s25] =	ssyncset.done $0x0  }
0xca: {  	s9 =	simm.s32 $0x1B770;
	[sflag:s25] =	ssyncadd.s32 $0xFFFFF000  }
0xcb: {  	v0 =	vld [tilespmem:s9+$0x0]  }
0xcc: {  	v1 =	vld [tilespmem:s9+$0xFFFFFFA0]  }
0xcd: {  	v2 =	vld [tilespmem:s9+$0xFFFFFFB0]  }
0xce: {  	v3 =	vld [tilespmem:s9+$0xFFFFFFC0]  }
0xcf: {  	v4 =	vld [tilespmem:s9+$0xFFFFFFD0]  }
0xd0: {  	v5 =	vld [tilespmem:s9+$0xFFFFFFE0]  }
0xd1: {  	v6 =	vld [tilespmem:s9+$0xFFFFFFF0]  }
0xd2: {  	s19 =	simm.s32 $0x1B7F0;
	v7 =	vld [tilespmem:s9+$0xFFFFFF90]  }
0xd3: {  	v8 =	vld [tilespmem:s19+$0x0]  }
0xd4: {  	v9 =	vld [tilespmem:s19+$0xFFFFFFA0];
	v0 =	vtrunc.f32 v0  }
0xd5: {  	v10 =	vld [tilespmem:s19+$0xFFFFFFB0];
	v1 =	vtrunc.f32 v1;
	v0 =	vcvt.f32.s32 v0  }
0xd6: {  	v11 =	vld [tilespmem:s19+$0xFFFFFFC0];
	v2 =	vtrunc.f32 v2;
	v1 =	vcvt.f32.s32 v1  }
0xd7: {  	v12 =	vld [tilespmem:s19+$0xFFFFFFD0];
	v3 =	vtrunc.f32 v3;
	v2 =	vcvt.f32.s32 v2  }
0xd8: {  	v13 =	vld [tilespmem:s19+$0xFFFFFFE0];
	v7 =	vtrunc.f32 v7;
	v3 =	vcvt.f32.s32 v3  }
0xd9: {  	v14 =	vld [tilespmem:s19+$0xFFFFFFF0];
	v4 =	vtrunc.f32 v4;
	v7 =	vcvt.f32.s32 v7  }
0xda: {  	v15 =	vld [tilespmem:s19+$0xFFFFFF90];
	v5 =	vtrunc.f32 v5;
	v4 =	vcvt.f32.s32 v4  }
0xdb: {  	v6 =	vtrunc.f32 v6;
	v5 =	vcvt.f32.s32 v5;
	v0 =	vld.idx.msk [tilespmem:v0+s5+$0x0], $0xffff  }
0xdc: {  	v8 =	vtrunc.f32 v8;
	v6 =	vcvt.f32.s32 v6;
	v1 =	vld.idx.msk [tilespmem:v1+s5+$0x0], $0xffff  }
0xdd: {  	v9 =	vtrunc.f32 v9;
	v8 =	vcvt.f32.s32 v8;
	v2 =	vld.idx.msk [tilespmem:v2+s5+$0x0], $0xffff  }
0xde: {  	v10 =	vtrunc.f32 v10;
	v9 =	vcvt.f32.s32 v9;
	v3 =	vld.idx.msk [tilespmem:v3+s5+$0x0], $0xffff  }
0xdf: {  	v11 =	vtrunc.f32 v11;
	v10 =	vcvt.f32.s32 v10;
	v16 =	vld.idx.msk [tilespmem:v7+s5+$0x0], $0xffff  }
0xe0: {  	s0 =	simm.s32 $0x1D740;
	v11 =	vcvt.f32.s32 v11;
	v17 =	vld.idx.msk [tilespmem:v4+s5+$0x0], $0xffff  }
0xe1: {  	v4 =	vld.idx.msk [tilespmem:v5+s5+$0x0], $0xffff;
	[tilespmem:s0+$0x30] =	vst v0  }
0xe2: {  	v5 =	vld.idx.msk [tilespmem:v6+s5+$0x0], $0xffff;
	[tilespmem:s0+$0xFFFFFFD0] =	vst v1  }
0xe3: {  	v6 =	vld.idx.msk [tilespmem:v8+s5+$0x0], $0xffff;
	[tilespmem:s0+$0xFFFFFFE0] =	vst v2;
	v0 =	vtrunc.f32 v12;
	v2 =	vtrunc.f32 v13  }
0xe4: {  	v7 =	vld.idx.msk [tilespmem:v9+s5+$0x0], $0xffff;
	[tilespmem:s0+$0xFFFFFFF0] =	vst v3;
	v3 =	vtrunc.f32 v15;
	v1 =	vcvt.f32.s32 v0  }
0xe5: {  	v8 =	vld.idx.msk [tilespmem:v10+s5+$0x0], $0xffff;
	[tilespmem:s0+$0xFFFFFFC0] =	vst v16;
	v0 =	vcvt.f32.s32 v2;
	v2 =	vtrunc.f32 v14  }
0xe6: {  	s2 =	simm.s32 $0x80;
	s9 =	simm.s32 $0x1B870;
	v9 =	vld.idx.msk [tilespmem:v11+s5+$0x0], $0xffff;
	[tilespmem:s0+$0x0] =	vst v17;
	v3 =	vcvt.f32.s32 v3;
	v2 =	vcvt.f32.s32 v2  }
.LBB2_9:
0xe7: {  	v10 =	vld [tilespmem:s9+$0x0];
	s2 =	sadd.s32 $0x80, s2;
	[tilespmem:s0+$0x10] =	vst v4  }
0xe8: {  	v4 =	vld [tilespmem:s9+$0xFFFFFFA0];
	p0 =	slt.u32 s2, $0xF80;
	[tilespmem:s0+$0x20] =	vst v5;
	s0 =	sadd.s32 $0x80, s0  }
0xe9: {  	v5 =	vld [tilespmem:s9+$0xFFFFFFB0];
	[tilespmem:s0+$0x30] =	vst v6  }
0xea: {  	v6 =	vld [tilespmem:s9+$0xFFFFFFC0];
	[tilespmem:s0+$0xFFFFFFD0] =	vst v7  }
0xeb: {  	v7 =	vld [tilespmem:s9+$0xFFFFFFD0];
	[tilespmem:s0+$0xFFFFFFE0] =	vst v8  }
0xec: {  	v8 =	vld [tilespmem:s9+$0xFFFFFFE0];
	v10 =	vtrunc.f32 v10;
	[tilespmem:s0+$0xFFFFFFF0] =	vst v9  }
0xed: {  	v4 =	vtrunc.f32 v4;
	v9 =	vld [tilespmem:s9+$0xFFFFFFF0];
	v10 =	vcvt.f32.s32 v10  }
0xee: {  	v11 =	vld [tilespmem:s9+$0xFFFFFF90];
	v12 =	vcvt.f32.s32 v4;
	v4 =	vtrunc.f32 v5  }
0xef: {  	v13 =	vcvt.f32.s32 v4;
	v4 =	vtrunc.f32 v6;
	v14 =	vld.idx.msk [tilespmem:v3+s5+$0x0], $0xffff  }
0xf0: {  	v15 =	vcvt.f32.s32 v4;
	v3 =	vtrunc.f32 v7;
	v16 =	vld.idx.msk [tilespmem:v1+s5+$0x0], $0xffff  }
0xf1: {  	v1 =	vcvt.f32.s32 v3;
	v3 =	vtrunc.f32 v8;
	v4 =	vld.idx.msk [tilespmem:v0+s5+$0x0], $0xffff  }
.Ltmp3:
0xf2: {  	v0 =	vcvt.f32.s32 v3;
	v3 =	vtrunc.f32 v9;
	v5 =	vld.idx.msk [tilespmem:v2+s5+$0x0], $0xffff;
	(pc) =	sbr.rel @p0 .LBB2_9-.Ltmp3, $4  }
0xf3: {  	v7 =	vtrunc.f32 v11;
	v2 =	vcvt.f32.s32 v3;
	v6 =	vld.idx.msk [tilespmem:v10+s5+$0x0], $0xffff  }
0xf4: {  	v3 =	vcvt.f32.s32 v7;
	v7 =	vld.idx.msk [tilespmem:v12+s5+$0x0], $0xffff  }
0xf5: {  	v8 =	vld.idx.msk [tilespmem:v13+s5+$0x0], $0xffff;
	[tilespmem:s0+$0xFFFFFFC0] =	vst v14  }
0xf6: {  	s9 =	sadd.s32 $0x80, s9;
	v9 =	vld.idx.msk [tilespmem:v15+s5+$0x0], $0xffff;
	[tilespmem:s0+$0x0] =	vst v16  }
0xf7: {  	_ =	sdelay $0x2  }
0xf8: {  	[tilespmem:s0+$0x10] =	vst v4  }
0xf9: {  	[tilespmem:s0+$0x20] =	vst v5;
	s9 =	sadd.s32 $0x80, s0;
	v3 =	vld.idx.msk [tilespmem:v3+s5+$0x0], $0xffff  }
0xfa: {  	v1 =	vld.idx.msk [tilespmem:v1+s5+$0x0], $0xffff;
	[tilespmem:s9+$0x30] =	vst v6  }
0xfb: {  	v0 =	vld.idx.msk [tilespmem:v0+s5+$0x0], $0xffff;
	[tilespmem:s9+$0xFFFFFFD0] =	vst v7  }
0xfc: {  	v2 =	vld.idx.msk [tilespmem:v2+s5+$0x0], $0xffff;
	[tilespmem:s9+$0xFFFFFFE0] =	vst v8  }
0xfd: {  	[tilespmem:s9+$0xFFFFFFF0] =	vst v9  }
0xfe: {  	s2 =	sor.u32 s6, s30;
	s19 =	smul.u32 $0x30E000, s29;
	[tilespmem:s9+$0xFFFFFFC0] =	vst v3  }
0xff: {  	s2 =	sshrl.u32 s2, $0x3;
	[tilespmem:s9+$0x0] =	vst v1  }
0x100: {  	s2 =	sor.u32 $0x3000, s2;
	s0 =	sadd.s32 s15, s19;
	[tilespmem:s9+$0x10] =	vst v0  }
0x101: {  	s2 =	sadd.s32 s4, s2;
	s0 =	sshrl.u32 s0, $0x3;
	[tilespmem:s9+$0x20] =	vst v2  }
0x102: {  	[hbm4b:s2+s17] =	stream.strided.scatter [tilespmem:s23], [sflag:$0x3], $0x1000, s18, s17, $0x38;
	[tilespmem:$0x1E700] =	vst v63  }
0x103: {  	s0 =	sadd.s32 s1, s0  }
0x104: {  	[tilespmem:s5], [sflag:$0x4] =	stream.strided.gather [hbm4b:s0+s17], $0x18700, s18, s17, $0x38;
	[tilespmem:$0x1E700] =	vst v63  }
0x105: {  	_ =	swait.ge [sflag:s24], $0x1000  }
0x106: {  	[sflag:s24] =	ssyncset.done $0x0  }
0x107: {  	[sflag:s24] =	ssyncadd.s32 $0xFFFFF000  }
0x108: {  	_ =	swait.ge [sflag:s25], $0x1000  }
0x109: {  	[sflag:s25] =	ssyncset.done $0x0  }
0x10a: {  	[sflag:s25] =	ssyncadd.s32 $0xFFFFF000  }
0x10b: {  	_ =	swait.ge [sflag:s21], $0x18700  }
0x10c: {  	[sflag:s21] =	ssyncset.done $0x0  }
0x10d: {  	s9 =	simm.s32 $0x18740;
	[sflag:s21] =	ssyncadd.s32 $0xFFFE7900  }
0x10e: {  	v0 =	vld [tilespmem:s9+$0x30]  }
0x10f: {  	v1 =	vld [tilespmem:s9+$0xFFFFFFD0]  }
0x110: {  	v2 =	vld [tilespmem:s9+$0xFFFFFFE0]  }
0x111: {  	v3 =	vld [tilespmem:s9+$0xFFFFFFF0]  }
0x112: {  	v4 =	vld [tilespmem:s9+$0x0]  }
0x113: {  	v5 =	vld [tilespmem:s9+$0x10]  }
0x114: {  	v6 =	vld [tilespmem:s9+$0x20]  }
0x115: {  	s19 =	simm.s32 $0x187C0;
	v7 =	vld [tilespmem:s9+$0xFFFFFFC0]  }
0x116: {  	v8 =	vld [tilespmem:s19+$0x30]  }
0x117: {  	v9 =	vld [tilespmem:s19+$0xFFFFFFD0];
	v0 =	vtrunc.f32 v0  }
0x118: {  	v10 =	vld [tilespmem:s19+$0xFFFFFFE0];
	v1 =	vtrunc.f32 v1;
	v0 =	vcvt.f32.s32 v0  }
0x119: {  	v11 =	vld [tilespmem:s19+$0xFFFFFFF0];
	v2 =	vtrunc.f32 v2;
	v1 =	vcvt.f32.s32 v1  }
0x11a: {  	v12 =	vld [tilespmem:s19+$0x0];
	v3 =	vtrunc.f32 v3;
	v2 =	vcvt.f32.s32 v2  }
0x11b: {  	v13 =	vld [tilespmem:s19+$0x10];
	v7 =	vtrunc.f32 v7;
	v3 =	vcvt.f32.s32 v3  }
0x11c: {  	v14 =	vld [tilespmem:s19+$0x20];
	v4 =	vtrunc.f32 v4;
	v7 =	vcvt.f32.s32 v7  }
0x11d: {  	v15 =	vld [tilespmem:s19+$0xFFFFFFC0];
	v5 =	vtrunc.f32 v5;
	v4 =	vcvt.f32.s32 v4  }
0x11e: {  	v6 =	vtrunc.f32 v6;
	v5 =	vcvt.f32.s32 v5;
	v0 =	vld.idx.msk [tilespmem:v0+s5+$0x0], $0xffff  }
0x11f: {  	v8 =	vtrunc.f32 v8;
	v6 =	vcvt.f32.s32 v6;
	v1 =	vld.idx.msk [tilespmem:v1+s5+$0x0], $0xffff  }
0x120: {  	v9 =	vtrunc.f32 v9;
	v8 =	vcvt.f32.s32 v8;
	v2 =	vld.idx.msk [tilespmem:v2+s5+$0x0], $0xffff  }
0x121: {  	v10 =	vtrunc.f32 v10;
	v9 =	vcvt.f32.s32 v9;
	v3 =	vld.idx.msk [tilespmem:v3+s5+$0x0], $0xffff  }
0x122: {  	v11 =	vtrunc.f32 v11;
	v10 =	vcvt.f32.s32 v10;
	v16 =	vld.idx.msk [tilespmem:v7+s5+$0x0], $0xffff  }
0x123: {  	s0 =	simm.s32 $0x1C740;
	v11 =	vcvt.f32.s32 v11;
	v17 =	vld.idx.msk [tilespmem:v4+s5+$0x0], $0xffff  }
0x124: {  	v4 =	vld.idx.msk [tilespmem:v5+s5+$0x0], $0xffff;
	[tilespmem:s0+$0x30] =	vst v0  }
0x125: {  	v5 =	vld.idx.msk [tilespmem:v6+s5+$0x0], $0xffff;
	[tilespmem:s0+$0xFFFFFFD0] =	vst v1  }
0x126: {  	v6 =	vld.idx.msk [tilespmem:v8+s5+$0x0], $0xffff;
	[tilespmem:s0+$0xFFFFFFE0] =	vst v2;
	v0 =	vtrunc.f32 v12;
	v2 =	vtrunc.f32 v13  }
0x127: {  	v7 =	vld.idx.msk [tilespmem:v9+s5+$0x0], $0xffff;
	[tilespmem:s0+$0xFFFFFFF0] =	vst v3;
	v3 =	vtrunc.f32 v15;
	v1 =	vcvt.f32.s32 v0  }
0x128: {  	v8 =	vld.idx.msk [tilespmem:v10+s5+$0x0], $0xffff;
	[tilespmem:s0+$0xFFFFFFC0] =	vst v16;
	v0 =	vcvt.f32.s32 v2;
	v2 =	vtrunc.f32 v14  }
0x129: {  	s2 =	simm.s32 $0x80;
	s9 =	simm.s32 $0x18840;
	v9 =	vld.idx.msk [tilespmem:v11+s5+$0x0], $0xffff;
	[tilespmem:s0+$0x0] =	vst v17;
	v3 =	vcvt.f32.s32 v3;
	v2 =	vcvt.f32.s32 v2  }
.LBB2_11:
0x12a: {  	v10 =	vld [tilespmem:s9+$0x30];
	s2 =	sadd.s32 $0x80, s2;
	[tilespmem:s0+$0x10] =	vst v4  }
0x12b: {  	v4 =	vld [tilespmem:s9+$0xFFFFFFD0];
	p0 =	slt.u32 s2, $0xF80;
	[tilespmem:s0+$0x20] =	vst v5;
	s0 =	sadd.s32 $0x80, s0  }
0x12c: {  	v5 =	vld [tilespmem:s9+$0xFFFFFFE0];
	[tilespmem:s0+$0x30] =	vst v6  }
0x12d: {  	v6 =	vld [tilespmem:s9+$0xFFFFFFF0];
	[tilespmem:s0+$0xFFFFFFD0] =	vst v7  }
0x12e: {  	v7 =	vld [tilespmem:s9+$0x0];
	[tilespmem:s0+$0xFFFFFFE0] =	vst v8  }
0x12f: {  	v8 =	vld [tilespmem:s9+$0x10];
	v10 =	vtrunc.f32 v10;
	[tilespmem:s0+$0xFFFFFFF0] =	vst v9  }
0x130: {  	v4 =	vtrunc.f32 v4;
	v9 =	vld [tilespmem:s9+$0x20];
	v10 =	vcvt.f32.s32 v10  }
0x131: {  	v11 =	vld [tilespmem:s9+$0xFFFFFFC0];
	v12 =	vcvt.f32.s32 v4;
	v4 =	vtrunc.f32 v5  }
0x132: {  	v13 =	vcvt.f32.s32 v4;
	v4 =	vtrunc.f32 v6;
	v14 =	vld.idx.msk [tilespmem:v3+s5+$0x0], $0xffff  }
0x133: {  	v15 =	vcvt.f32.s32 v4;
	v3 =	vtrunc.f32 v7;
	v16 =	vld.idx.msk [tilespmem:v1+s5+$0x0], $0xffff  }
0x134: {  	v1 =	vcvt.f32.s32 v3;
	v3 =	vtrunc.f32 v8;
	v4 =	vld.idx.msk [tilespmem:v0+s5+$0x0], $0xffff  }
.Ltmp4:
0x135: {  	v0 =	vcvt.f32.s32 v3;
	v3 =	vtrunc.f32 v9;
	v5 =	vld.idx.msk [tilespmem:v2+s5+$0x0], $0xffff;
	(pc) =	sbr.rel @p0 .LBB2_11-.Ltmp4, $4  }
0x136: {  	v7 =	vtrunc.f32 v11;
	v2 =	vcvt.f32.s32 v3;
	v6 =	vld.idx.msk [tilespmem:v10+s5+$0x0], $0xffff  }
0x137: {  	v3 =	vcvt.f32.s32 v7;
	v7 =	vld.idx.msk [tilespmem:v12+s5+$0x0], $0xffff  }
0x138: {  	v8 =	vld.idx.msk [tilespmem:v13+s5+$0x0], $0xffff;
	[tilespmem:s0+$0xFFFFFFC0] =	vst v14  }
0x139: {  	s9 =	sadd.s32 $0x80, s9;
	v9 =	vld.idx.msk [tilespmem:v15+s5+$0x0], $0xffff;
	[tilespmem:s0+$0x0] =	vst v16  }
0x13a: {  	_ =	sdelay $0x2  }
0x13b: {  	[tilespmem:s0+$0x10] =	vst v4  }
0x13c: {  	[tilespmem:s0+$0x20] =	vst v5;
	s2 =	sadd.s32 $0x80, s0;
	v3 =	vld.idx.msk [tilespmem:v3+s5+$0x0], $0xffff  }
0x13d: {  	v1 =	vld.idx.msk [tilespmem:v1+s5+$0x0], $0xffff;
	[tilespmem:s2+$0x30] =	vst v6  }
0x13e: {  	v0 =	vld.idx.msk [tilespmem:v0+s5+$0x0], $0xffff;
	[tilespmem:s2+$0xFFFFFFD0] =	vst v7  }
0x13f: {  	v2 =	vld.idx.msk [tilespmem:v2+s5+$0x0], $0xffff;
	[tilespmem:s2+$0xFFFFFFE0] =	vst v8  }
0x140: {  	[tilespmem:s2+$0xFFFFFFF0] =	vst v9  }
0x141: {  	[tilespmem:s2+$0xFFFFFFC0] =	vst v3  }
0x142: {  	s31 =	sor.u32 s14, s31;
	[tilespmem:s2+$0x0] =	vst v1  }
0x143: {  	s0 =	sshrl.u32 s31, $0x3;
	[tilespmem:s2+$0x10] =	vst v0  }
0x144: {  	s19 =	simm.s32 $0x19770;
	s9 =	sadd.s32 s4, s0;
	[tilespmem:s2+$0x20] =	vst v2  }
0x145: {  	[hbm4b:s9+s17] =	stream.strided.scatter [tilespmem:s22], [sflag:$0x2], $0x1000, s18, s17, $0x38;
	[tilespmem:$0x1E700] =	vst v63  }
0x146: {  	v0 =	vld [tilespmem:s19+$0x0]  }
0x147: {  	v1 =	vld [tilespmem:s19+$0xFFFFFFA0]  }
0x148: {  	v2 =	vld [tilespmem:s19+$0xFFFFFFB0]  }
0x149: {  	v3 =	vld [tilespmem:s19+$0xFFFFFFC0]  }
0x14a: {  	v4 =	vld [tilespmem:s19+$0xFFFFFFD0]  }
0x14b: {  	v5 =	vld [tilespmem:s19+$0xFFFFFFE0]  }
0x14c: {  	v6 =	vld [tilespmem:s19+$0xFFFFFFF0]  }
0x14d: {  	s31 =	simm.s32 $0x197F0;
	v7 =	vld [tilespmem:s19+$0xFFFFFF90]  }
0x14e: {  	v8 =	vld [tilespmem:s31+$0x0]  }
0x14f: {  	v9 =	vld [tilespmem:s31+$0xFFFFFFA0];
	v0 =	vtrunc.f32 v0  }
0x150: {  	v10 =	vld [tilespmem:s31+$0xFFFFFFB0];
	v1 =	vtrunc.f32 v1;
	v0 =	vcvt.f32.s32 v0  }
0x151: {  	v11 =	vld [tilespmem:s31+$0xFFFFFFC0];
	v2 =	vtrunc.f32 v2;
	v1 =	vcvt.f32.s32 v1  }
0x152: {  	v12 =	vld [tilespmem:s31+$0xFFFFFFD0];
	v3 =	vtrunc.f32 v3;
	v2 =	vcvt.f32.s32 v2  }
0x153: {  	v13 =	vld [tilespmem:s31+$0xFFFFFFE0];
	v7 =	vtrunc.f32 v7;
	v3 =	vcvt.f32.s32 v3  }
0x154: {  	v14 =	vld [tilespmem:s31+$0xFFFFFFF0];
	v4 =	vtrunc.f32 v4;
	v7 =	vcvt.f32.s32 v7  }
0x155: {  	v15 =	vld [tilespmem:s31+$0xFFFFFF90];
	v5 =	vtrunc.f32 v5;
	v4 =	vcvt.f32.s32 v4  }
0x156: {  	v6 =	vtrunc.f32 v6;
	v5 =	vcvt.f32.s32 v5;
	v0 =	vld.idx.msk [tilespmem:v0+s5+$0x0], $0xffff  }
0x157: {  	v8 =	vtrunc.f32 v8;
	v6 =	vcvt.f32.s32 v6;
	v1 =	vld.idx.msk [tilespmem:v1+s5+$0x0], $0xffff  }
0x158: {  	v9 =	vtrunc.f32 v9;
	v8 =	vcvt.f32.s32 v8;
	v2 =	vld.idx.msk [tilespmem:v2+s5+$0x0], $0xffff  }
0x159: {  	v10 =	vtrunc.f32 v10;
	v9 =	vcvt.f32.s32 v9;
	v3 =	vld.idx.msk [tilespmem:v3+s5+$0x0], $0xffff  }
0x15a: {  	v11 =	vtrunc.f32 v11;
	v10 =	vcvt.f32.s32 v10;
	v16 =	vld.idx.msk [tilespmem:v7+s5+$0x0], $0xffff  }
0x15b: {  	s2 =	simm.s32 $0x1D740;
	v11 =	vcvt.f32.s32 v11;
	v17 =	vld.idx.msk [tilespmem:v4+s5+$0x0], $0xffff  }
0x15c: {  	v4 =	vld.idx.msk [tilespmem:v5+s5+$0x0], $0xffff;
	[tilespmem:s2+$0x30] =	vst v0  }
0x15d: {  	v5 =	vld.idx.msk [tilespmem:v6+s5+$0x0], $0xffff;
	[tilespmem:s2+$0xFFFFFFD0] =	vst v1  }
0x15e: {  	v6 =	vld.idx.msk [tilespmem:v8+s5+$0x0], $0xffff;
	[tilespmem:s2+$0xFFFFFFE0] =	vst v2;
	v0 =	vtrunc.f32 v12;
	v2 =	vtrunc.f32 v13  }
0x15f: {  	v7 =	vld.idx.msk [tilespmem:v9+s5+$0x0], $0xffff;
	[tilespmem:s2+$0xFFFFFFF0] =	vst v3;
	v3 =	vtrunc.f32 v15;
	v1 =	vcvt.f32.s32 v0  }
0x160: {  	v8 =	vld.idx.msk [tilespmem:v10+s5+$0x0], $0xffff;
	[tilespmem:s2+$0xFFFFFFC0] =	vst v16;
	v0 =	vcvt.f32.s32 v2;
	v2 =	vtrunc.f32 v14  }
0x161: {  	s9 =	simm.s32 $0x19870;
	s19 =	simm.s32 $0x80;
	v9 =	vld.idx.msk [tilespmem:v11+s5+$0x0], $0xffff;
	[tilespmem:s2+$0x0] =	vst v17;
	v3 =	vcvt.f32.s32 v3;
	v2 =	vcvt.f32.s32 v2  }
.LBB2_13:
0x162: {  	v10 =	vld [tilespmem:s9+$0x0];
	s19 =	sadd.s32 $0x80, s19;
	[tilespmem:s2+$0x10] =	vst v4  }
0x163: {  	v4 =	vld [tilespmem:s9+$0xFFFFFFA0];
	p0 =	slt.u32 s19, $0xF80;
	[tilespmem:s2+$0x20] =	vst v5;
	s2 =	sadd.s32 $0x80, s2  }
0x164: {  	v5 =	vld [tilespmem:s9+$0xFFFFFFB0];
	[tilespmem:s2+$0x30] =	vst v6  }
0x165: {  	v6 =	vld [tilespmem:s9+$0xFFFFFFC0];
	[tilespmem:s2+$0xFFFFFFD0] =	vst v7  }
0x166: {  	v7 =	vld [tilespmem:s9+$0xFFFFFFD0];
	[tilespmem:s2+$0xFFFFFFE0] =	vst v8  }
0x167: {  	v8 =	vld [tilespmem:s9+$0xFFFFFFE0];
	v10 =	vtrunc.f32 v10;
	[tilespmem:s2+$0xFFFFFFF0] =	vst v9  }
0x168: {  	v4 =	vtrunc.f32 v4;
	v9 =	vld [tilespmem:s9+$0xFFFFFFF0];
	v10 =	vcvt.f32.s32 v10  }
0x169: {  	v11 =	vld [tilespmem:s9+$0xFFFFFF90];
	v12 =	vcvt.f32.s32 v4;
	v4 =	vtrunc.f32 v5  }
0x16a: {  	v13 =	vcvt.f32.s32 v4;
	v4 =	vtrunc.f32 v6;
	v14 =	vld.idx.msk [tilespmem:v3+s5+$0x0], $0xffff  }
0x16b: {  	v15 =	vcvt.f32.s32 v4;
	v3 =	vtrunc.f32 v7;
	v16 =	vld.idx.msk [tilespmem:v1+s5+$0x0], $0xffff  }
0x16c: {  	v1 =	vcvt.f32.s32 v3;
	v3 =	vtrunc.f32 v8;
	v4 =	vld.idx.msk [tilespmem:v0+s5+$0x0], $0xffff  }
.Ltmp5:
0x16d: {  	v0 =	vcvt.f32.s32 v3;
	v3 =	vtrunc.f32 v9;
	v5 =	vld.idx.msk [tilespmem:v2+s5+$0x0], $0xffff;
	(pc) =	sbr.rel @p0 .LBB2_13-.Ltmp5, $4  }
0x16e: {  	v7 =	vtrunc.f32 v11;
	v2 =	vcvt.f32.s32 v3;
	v6 =	vld.idx.msk [tilespmem:v10+s5+$0x0], $0xffff  }
0x16f: {  	v3 =	vcvt.f32.s32 v7;
	v7 =	vld.idx.msk [tilespmem:v12+s5+$0x0], $0xffff  }
0x170: {  	v8 =	vld.idx.msk [tilespmem:v13+s5+$0x0], $0xffff;
	[tilespmem:s2+$0xFFFFFFC0] =	vst v14  }
0x171: {  	s9 =	sadd.s32 $0x80, s9;
	v9 =	vld.idx.msk [tilespmem:v15+s5+$0x0], $0xffff;
	[tilespmem:s2+$0x0] =	vst v16  }
0x172: {  	_ =	sdelay $0x2  }
0x173: {  	[tilespmem:s2+$0x10] =	vst v4  }
0x174: {  	[tilespmem:s2+$0x20] =	vst v5;
	s31 =	sadd.s32 $0x80, s2;
	v3 =	vld.idx.msk [tilespmem:v3+s5+$0x0], $0xffff  }
0x175: {  	v1 =	vld.idx.msk [tilespmem:v1+s5+$0x0], $0xffff;
	[tilespmem:s31+$0x30] =	vst v6  }
0x176: {  	v0 =	vld.idx.msk [tilespmem:v0+s5+$0x0], $0xffff;
	[tilespmem:s31+$0xFFFFFFD0] =	vst v7  }
0x177: {  	v2 =	vld.idx.msk [tilespmem:v2+s5+$0x0], $0xffff;
	[tilespmem:s31+$0xFFFFFFE0] =	vst v8  }
0x178: {  	[tilespmem:s31+$0xFFFFFFF0] =	vst v9  }
0x179: {  	[tilespmem:s31+$0xFFFFFFC0] =	vst v3  }
0x17a: {  	[tilespmem:s31+$0x0] =	vst v1  }
0x17b: {  	[tilespmem:s31+$0x10] =	vst v0  }
0x17c: {  	s9 =	sadd.s32 s0, s12;
	[tilespmem:s31+$0x20] =	vst v2  }
0x17d: {  	[hbm4b:s9+s17] =	stream.strided.scatter [tilespmem:s23], [sflag:$0x3], $0x1000, s18, s17, $0x38;
	[tilespmem:$0x1E700] =	vst v63  }
0x17e: {  	_ =	swait.ge [sflag:s24], $0x1000  }
0x17f: {  	[sflag:s24] =	ssyncset.done $0x0  }
0x180: {  	s19 =	simm.s32 $0x1A770;
	[sflag:s24] =	ssyncadd.s32 $0xFFFFF000  }
0x181: {  	v0 =	vld [tilespmem:s19+$0x0]  }
0x182: {  	v1 =	vld [tilespmem:s19+$0xFFFFFFA0]  }
0x183: {  	v2 =	vld [tilespmem:s19+$0xFFFFFFB0]  }
0x184: {  	v3 =	vld [tilespmem:s19+$0xFFFFFFC0]  }
0x185: {  	v4 =	vld [tilespmem:s19+$0xFFFFFFD0]  }
0x186: {  	v5 =	vld [tilespmem:s19+$0xFFFFFFE0]  }
0x187: {  	v6 =	vld [tilespmem:s19+$0xFFFFFFF0]  }
0x188: {  	s31 =	simm.s32 $0x1A7F0;
	v7 =	vld [tilespmem:s19+$0xFFFFFF90]  }
0x189: {  	v8 =	vld [tilespmem:s31+$0x0]  }
0x18a: {  	v9 =	vld [tilespmem:s31+$0xFFFFFFA0];
	v0 =	vtrunc.f32 v0  }
0x18b: {  	v10 =	vld [tilespmem:s31+$0xFFFFFFB0];
	v1 =	vtrunc.f32 v1;
	v0 =	vcvt.f32.s32 v0  }
0x18c: {  	v11 =	vld [tilespmem:s31+$0xFFFFFFC0];
	v2 =	vtrunc.f32 v2;
	v1 =	vcvt.f32.s32 v1  }
0x18d: {  	v12 =	vld [tilespmem:s31+$0xFFFFFFD0];
	v3 =	vtrunc.f32 v3;
	v2 =	vcvt.f32.s32 v2  }
0x18e: {  	v13 =	vld [tilespmem:s31+$0xFFFFFFE0];
	v7 =	vtrunc.f32 v7;
	v3 =	vcvt.f32.s32 v3  }
0x18f: {  	v14 =	vld [tilespmem:s31+$0xFFFFFFF0];
	v4 =	vtrunc.f32 v4;
	v7 =	vcvt.f32.s32 v7  }
0x190: {  	v15 =	vld [tilespmem:s31+$0xFFFFFF90];
	v5 =	vtrunc.f32 v5;
	v4 =	vcvt.f32.s32 v4  }
0x191: {  	v6 =	vtrunc.f32 v6;
	v5 =	vcvt.f32.s32 v5;
	v0 =	vld.idx.msk [tilespmem:v0+s5+$0x0], $0xffff  }
0x192: {  	v8 =	vtrunc.f32 v8;
	v6 =	vcvt.f32.s32 v6;
	v1 =	vld.idx.msk [tilespmem:v1+s5+$0x0], $0xffff  }
0x193: {  	v9 =	vtrunc.f32 v9;
	v8 =	vcvt.f32.s32 v8;
	v2 =	vld.idx.msk [tilespmem:v2+s5+$0x0], $0xffff  }
0x194: {  	v10 =	vtrunc.f32 v10;
	v9 =	vcvt.f32.s32 v9;
	v3 =	vld.idx.msk [tilespmem:v3+s5+$0x0], $0xffff  }
0x195: {  	v11 =	vtrunc.f32 v11;
	v10 =	vcvt.f32.s32 v10;
	v16 =	vld.idx.msk [tilespmem:v7+s5+$0x0], $0xffff  }
0x196: {  	s2 =	simm.s32 $0x1C740;
	v11 =	vcvt.f32.s32 v11;
	v17 =	vld.idx.msk [tilespmem:v4+s5+$0x0], $0xffff  }
0x197: {  	v4 =	vld.idx.msk [tilespmem:v5+s5+$0x0], $0xffff;
	[tilespmem:s2+$0x30] =	vst v0  }
0x198: {  	v5 =	vld.idx.msk [tilespmem:v6+s5+$0x0], $0xffff;
	[tilespmem:s2+$0xFFFFFFD0] =	vst v1  }
0x199: {  	v6 =	vld.idx.msk [tilespmem:v8+s5+$0x0], $0xffff;
	[tilespmem:s2+$0xFFFFFFE0] =	vst v2;
	v0 =	vtrunc.f32 v12;
	v2 =	vtrunc.f32 v13  }
0x19a: {  	v7 =	vld.idx.msk [tilespmem:v9+s5+$0x0], $0xffff;
	[tilespmem:s2+$0xFFFFFFF0] =	vst v3;
	v3 =	vtrunc.f32 v15;
	v1 =	vcvt.f32.s32 v0  }
0x19b: {  	v8 =	vld.idx.msk [tilespmem:v10+s5+$0x0], $0xffff;
	[tilespmem:s2+$0xFFFFFFC0] =	vst v16;
	v0 =	vcvt.f32.s32 v2;
	v2 =	vtrunc.f32 v14  }
0x19c: {  	s9 =	simm.s32 $0x1A870;
	s19 =	simm.s32 $0x80;
	v9 =	vld.idx.msk [tilespmem:v11+s5+$0x0], $0xffff;
	[tilespmem:s2+$0x0] =	vst v17;
	v3 =	vcvt.f32.s32 v3;
	v2 =	vcvt.f32.s32 v2  }
.LBB2_15:
0x19d: {  	v10 =	vld [tilespmem:s9+$0x0];
	s19 =	sadd.s32 $0x80, s19;
	[tilespmem:s2+$0x10] =	vst v4  }
0x19e: {  	v4 =	vld [tilespmem:s9+$0xFFFFFFA0];
	p0 =	slt.u32 s19, $0xF80;
	[tilespmem:s2+$0x20] =	vst v5;
	s2 =	sadd.s32 $0x80, s2  }
0x19f: {  	v5 =	vld [tilespmem:s9+$0xFFFFFFB0];
	[tilespmem:s2+$0x30] =	vst v6  }
0x1a0: {  	v6 =	vld [tilespmem:s9+$0xFFFFFFC0];
	[tilespmem:s2+$0xFFFFFFD0] =	vst v7  }
0x1a1: {  	v7 =	vld [tilespmem:s9+$0xFFFFFFD0];
	[tilespmem:s2+$0xFFFFFFE0] =	vst v8  }
0x1a2: {  	v8 =	vld [tilespmem:s9+$0xFFFFFFE0];
	v10 =	vtrunc.f32 v10;
	[tilespmem:s2+$0xFFFFFFF0] =	vst v9  }
0x1a3: {  	v4 =	vtrunc.f32 v4;
	v9 =	vld [tilespmem:s9+$0xFFFFFFF0];
	v10 =	vcvt.f32.s32 v10  }
0x1a4: {  	v11 =	vld [tilespmem:s9+$0xFFFFFF90];
	v12 =	vcvt.f32.s32 v4;
	v4 =	vtrunc.f32 v5  }
0x1a5: {  	v13 =	vcvt.f32.s32 v4;
	v4 =	vtrunc.f32 v6;
	v14 =	vld.idx.msk [tilespmem:v3+s5+$0x0], $0xffff  }
0x1a6: {  	v15 =	vcvt.f32.s32 v4;
	v3 =	vtrunc.f32 v7;
	v16 =	vld.idx.msk [tilespmem:v1+s5+$0x0], $0xffff  }
0x1a7: {  	v1 =	vcvt.f32.s32 v3;
	v3 =	vtrunc.f32 v8;
	v4 =	vld.idx.msk [tilespmem:v0+s5+$0x0], $0xffff  }
.Ltmp6:
0x1a8: {  	v0 =	vcvt.f32.s32 v3;
	v3 =	vtrunc.f32 v9;
	v5 =	vld.idx.msk [tilespmem:v2+s5+$0x0], $0xffff;
	(pc) =	sbr.rel @p0 .LBB2_15-.Ltmp6, $4  }
0x1a9: {  	v7 =	vtrunc.f32 v11;
	v2 =	vcvt.f32.s32 v3;
	v6 =	vld.idx.msk [tilespmem:v10+s5+$0x0], $0xffff  }
0x1aa: {  	v3 =	vcvt.f32.s32 v7;
	v7 =	vld.idx.msk [tilespmem:v12+s5+$0x0], $0xffff  }
0x1ab: {  	v8 =	vld.idx.msk [tilespmem:v13+s5+$0x0], $0xffff;
	[tilespmem:s2+$0xFFFFFFC0] =	vst v14  }
0x1ac: {  	s9 =	sadd.s32 $0x80, s9;
	v9 =	vld.idx.msk [tilespmem:v15+s5+$0x0], $0xffff;
	[tilespmem:s2+$0x0] =	vst v16  }
0x1ad: {  	_ =	sdelay $0x2  }
0x1ae: {  	[tilespmem:s2+$0x10] =	vst v4  }
0x1af: {  	[tilespmem:s2+$0x20] =	vst v5;
	s9 =	sadd.s32 $0x80, s2;
	v3 =	vld.idx.msk [tilespmem:v3+s5+$0x0], $0xffff  }
0x1b0: {  	v1 =	vld.idx.msk [tilespmem:v1+s5+$0x0], $0xffff;
	[tilespmem:s9+$0x30] =	vst v6  }
0x1b1: {  	v0 =	vld.idx.msk [tilespmem:v0+s5+$0x0], $0xffff;
	[tilespmem:s9+$0xFFFFFFD0] =	vst v7  }
0x1b2: {  	v2 =	vld.idx.msk [tilespmem:v2+s5+$0x0], $0xffff;
	[tilespmem:s9+$0xFFFFFFE0] =	vst v8  }
0x1b3: {  	[tilespmem:s9+$0xFFFFFFF0] =	vst v9  }
0x1b4: {  	[tilespmem:s9+$0xFFFFFFC0] =	vst v3  }
0x1b5: {  	[tilespmem:s9+$0x0] =	vst v1  }
0x1b6: {  	[tilespmem:s9+$0x10] =	vst v0  }
0x1b7: {  	s0 =	sadd.s32 s0, s13;
	[tilespmem:s9+$0x20] =	vst v2  }
0x1b8: {  	[hbm4b:s0+s17] =	stream.strided.scatter [tilespmem:s22], [sflag:$0x2], $0x1000, s18, s17, $0x38;
	[tilespmem:$0x1E700] =	vst v63  }
0x1b9: {  	_ =	swait.ge [sflag:s25], $0x1000  }
0x1ba: {  	[sflag:s25] =	ssyncset.done $0x0  }
0x1bb: {  	s19 =	simm.s32 $0x1B770;
	[sflag:s25] =	ssyncadd.s32 $0xFFFFF000  }
0x1bc: {  	v0 =	vld [tilespmem:s19+$0x0]  }
0x1bd: {  	v1 =	vld [tilespmem:s19+$0xFFFFFFA0]  }
0x1be: {  	v2 =	vld [tilespmem:s19+$0xFFFFFFB0]  }
0x1bf: {  	v3 =	vld [tilespmem:s19+$0xFFFFFFC0]  }
0x1c0: {  	v4 =	vld [tilespmem:s19+$0xFFFFFFD0]  }
0x1c1: {  	v5 =	vld [tilespmem:s19+$0xFFFFFFE0]  }
0x1c2: {  	v6 =	vld [tilespmem:s19+$0xFFFFFFF0]  }
0x1c3: {  	s31 =	simm.s32 $0x1B7F0;
	v7 =	vld [tilespmem:s19+$0xFFFFFF90]  }
0x1c4: {  	v8 =	vld [tilespmem:s31+$0x0]  }
0x1c5: {  	v9 =	vld [tilespmem:s31+$0xFFFFFFA0];
	v0 =	vtrunc.f32 v0  }
0x1c6: {  	v10 =	vld [tilespmem:s31+$0xFFFFFFB0];
	v1 =	vtrunc.f32 v1;
	v0 =	vcvt.f32.s32 v0  }
0x1c7: {  	v11 =	vld [tilespmem:s31+$0xFFFFFFC0];
	v2 =	vtrunc.f32 v2;
	v1 =	vcvt.f32.s32 v1  }
0x1c8: {  	v12 =	vld [tilespmem:s31+$0xFFFFFFD0];
	v3 =	vtrunc.f32 v3;
	v2 =	vcvt.f32.s32 v2  }
0x1c9: {  	v13 =	vld [tilespmem:s31+$0xFFFFFFE0];
	v7 =	vtrunc.f32 v7;
	v3 =	vcvt.f32.s32 v3  }
0x1ca: {  	v14 =	vld [tilespmem:s31+$0xFFFFFFF0];
	v4 =	vtrunc.f32 v4;
	v7 =	vcvt.f32.s32 v7  }
0x1cb: {  	v15 =	vld [tilespmem:s31+$0xFFFFFF90];
	v5 =	vtrunc.f32 v5;
	v4 =	vcvt.f32.s32 v4  }
0x1cc: {  	v6 =	vtrunc.f32 v6;
	v5 =	vcvt.f32.s32 v5;
	v0 =	vld.idx.msk [tilespmem:v0+s5+$0x0], $0xffff  }
0x1cd: {  	v8 =	vtrunc.f32 v8;
	v6 =	vcvt.f32.s32 v6;
	v1 =	vld.idx.msk [tilespmem:v1+s5+$0x0], $0xffff  }
0x1ce: {  	v9 =	vtrunc.f32 v9;
	v8 =	vcvt.f32.s32 v8;
	v2 =	vld.idx.msk [tilespmem:v2+s5+$0x0], $0xffff  }
0x1cf: {  	v10 =	vtrunc.f32 v10;
	v9 =	vcvt.f32.s32 v9;
	v3 =	vld.idx.msk [tilespmem:v3+s5+$0x0], $0xffff  }
0x1d0: {  	v11 =	vtrunc.f32 v11;
	v10 =	vcvt.f32.s32 v10;
	v16 =	vld.idx.msk [tilespmem:v7+s5+$0x0], $0xffff  }
0x1d1: {  	s0 =	simm.s32 $0x1D740;
	v11 =	vcvt.f32.s32 v11;
	v17 =	vld.idx.msk [tilespmem:v4+s5+$0x0], $0xffff  }
0x1d2: {  	v4 =	vld.idx.msk [tilespmem:v5+s5+$0x0], $0xffff;
	[tilespmem:s0+$0x30] =	vst v0  }
0x1d3: {  	v5 =	vld.idx.msk [tilespmem:v6+s5+$0x0], $0xffff;
	[tilespmem:s0+$0xFFFFFFD0] =	vst v1  }
0x1d4: {  	v6 =	vld.idx.msk [tilespmem:v8+s5+$0x0], $0xffff;
	[tilespmem:s0+$0xFFFFFFE0] =	vst v2;
	v0 =	vtrunc.f32 v12;
	v2 =	vtrunc.f32 v13  }
0x1d5: {  	v7 =	vld.idx.msk [tilespmem:v9+s5+$0x0], $0xffff;
	[tilespmem:s0+$0xFFFFFFF0] =	vst v3;
	v3 =	vtrunc.f32 v15;
	v1 =	vcvt.f32.s32 v0  }
0x1d6: {  	v8 =	vld.idx.msk [tilespmem:v10+s5+$0x0], $0xffff;
	[tilespmem:s0+$0xFFFFFFC0] =	vst v16;
	v0 =	vcvt.f32.s32 v2;
	v2 =	vtrunc.f32 v14  }
0x1d7: {  	s2 =	simm.s32 $0x80;
	s9 =	simm.s32 $0x1B870;
	v9 =	vld.idx.msk [tilespmem:v11+s5+$0x0], $0xffff;
	[tilespmem:s0+$0x0] =	vst v17;
	v3 =	vcvt.f32.s32 v3;
	v2 =	vcvt.f32.s32 v2  }
.LBB2_17:
0x1d8: {  	v10 =	vld [tilespmem:s9+$0x0];
	s2 =	sadd.s32 $0x80, s2;
	[tilespmem:s0+$0x10] =	vst v4  }
0x1d9: {  	v4 =	vld [tilespmem:s9+$0xFFFFFFA0];
	p0 =	slt.u32 s2, $0xF80;
	[tilespmem:s0+$0x20] =	vst v5;
	s0 =	sadd.s32 $0x80, s0  }
0x1da: {  	v5 =	vld [tilespmem:s9+$0xFFFFFFB0];
	[tilespmem:s0+$0x30] =	vst v6  }
0x1db: {  	v6 =	vld [tilespmem:s9+$0xFFFFFFC0];
	[tilespmem:s0+$0xFFFFFFD0] =	vst v7  }
0x1dc: {  	v7 =	vld [tilespmem:s9+$0xFFFFFFD0];
	[tilespmem:s0+$0xFFFFFFE0] =	vst v8  }
0x1dd: {  	v8 =	vld [tilespmem:s9+$0xFFFFFFE0];
	v10 =	vtrunc.f32 v10;
	[tilespmem:s0+$0xFFFFFFF0] =	vst v9  }
0x1de: {  	v4 =	vtrunc.f32 v4;
	v9 =	vld [tilespmem:s9+$0xFFFFFFF0];
	v10 =	vcvt.f32.s32 v10  }
0x1df: {  	v11 =	vld [tilespmem:s9+$0xFFFFFF90];
	v12 =	vcvt.f32.s32 v4;
	v4 =	vtrunc.f32 v5  }
0x1e0: {  	v13 =	vcvt.f32.s32 v4;
	v4 =	vtrunc.f32 v6;
	v14 =	vld.idx.msk [tilespmem:v3+s5+$0x0], $0xffff  }
0x1e1: {  	v15 =	vcvt.f32.s32 v4;
	v3 =	vtrunc.f32 v7;
	v16 =	vld.idx.msk [tilespmem:v1+s5+$0x0], $0xffff  }
0x1e2: {  	v1 =	vcvt.f32.s32 v3;
	v3 =	vtrunc.f32 v8;
	v4 =	vld.idx.msk [tilespmem:v0+s5+$0x0], $0xffff  }
.Ltmp7:
0x1e3: {  	v0 =	vcvt.f32.s32 v3;
	v3 =	vtrunc.f32 v9;
	v5 =	vld.idx.msk [tilespmem:v2+s5+$0x0], $0xffff;
	(pc) =	sbr.rel @p0 .LBB2_17-.Ltmp7, $4  }
0x1e4: {  	v7 =	vtrunc.f32 v11;
	v2 =	vcvt.f32.s32 v3;
	v6 =	vld.idx.msk [tilespmem:v10+s5+$0x0], $0xffff  }
0x1e5: {  	v3 =	vcvt.f32.s32 v7;
	v7 =	vld.idx.msk [tilespmem:v12+s5+$0x0], $0xffff  }
0x1e6: {  	v8 =	vld.idx.msk [tilespmem:v13+s5+$0x0], $0xffff;
	[tilespmem:s0+$0xFFFFFFC0] =	vst v14  }
0x1e7: {  	s9 =	sadd.s32 $0x80, s9;
	v9 =	vld.idx.msk [tilespmem:v15+s5+$0x0], $0xffff;
	[tilespmem:s0+$0x0] =	vst v16  }
0x1e8: {  	_ =	sdelay $0x2  }
0x1e9: {  	[tilespmem:s0+$0x10] =	vst v4  }
0x1ea: {  	[tilespmem:s0+$0x20] =	vst v5;
	s19 =	sadd.s32 $0x80, s0;
	v3 =	vld.idx.msk [tilespmem:v3+s5+$0x0], $0xffff  }
0x1eb: {  	v1 =	vld.idx.msk [tilespmem:v1+s5+$0x0], $0xffff;
	[tilespmem:s19+$0x30] =	vst v6  }
0x1ec: {  	v0 =	vld.idx.msk [tilespmem:v0+s5+$0x0], $0xffff;
	[tilespmem:s19+$0xFFFFFFD0] =	vst v7  }
0x1ed: {  	v2 =	vld.idx.msk [tilespmem:v2+s5+$0x0], $0xffff;
	s2 =	sor.u32 s14, s30;
	p0 =	seq.s32 s28, $0xC;
	[tilespmem:s19+$0xFFFFFFE0] =	vst v8  }
0x1ee: {  	s2 =	sshrl.u32 s2, $0x3;
	s0 =	sadd.s32 @!p0 $0x1, s29;
	[tilespmem:s19+$0xFFFFFFF0] =	vst v9  }
0x1ef: {  	s2 =	sor.u32 $0x3000, s2;
	s9 =	sshll.u32 @!p0 s0, $0xB;
	[tilespmem:s19+$0xFFFFFFC0] =	vst v3  }
0x1f0: {  	s31 =	sadd.s32 s4, s2;
	s2 =	sshll.u32 @!p0 s0, $0x4;
	s0 =	smul.u32 @!p0 $0x30E000, s0;
	[tilespmem:s19+$0x0] =	vst v1  }
0x1f1: {  	s29 =	simm.s32 @!p0 $0x18700;
	s9 =	sand.u32 @!p0 $0xFFFC000, s9;
	s2 =	sand.u32 @!p0 $0x70, s2;
	[tilespmem:s19+$0x10] =	vst v0  }
0x1f2: {  	[tilespmem:s19+$0x20] =	vst v2;
	s2 =	sadd.s32 @!p0 s3, s2;
	s19 =	simm.s32 @!p0 $0x400;
	s0 =	sadd.s32 @!p0 s11, s0  }
0x1f3: {  	[hbm4b:s31+s17] =	stream.strided.scatter [tilespmem:s23], [sflag:$0x3], $0x1000, s18, s17, $0x38;
	[tilespmem:$0x1E700] =	vst v63  }
0x1f4: {  	s2 =	sadd.s32 @!p0 s9, s2;
	s9 =	simm.s32 @!p0 $0x80;
	s0 =	sshrl.u32 @!p0 s0, $0x3  }
0x1f5: {  	[tilespmem:s29], [sflag:$0x1] =	stream.strided.gather @!p0 [hbm4b:s2+s9], $0x4000, s19, s9, $0x38;
	[tilespmem:$0x1E700] =	vst v63  }
0x1f6: {  	s28 =	sadd.s32 $0x1, s28;
	s0 =	sadd.s32 @!p0 s1, s0;
	s2 =	simm.s32 @!p0 $0x0  }
0x1f7: {  	[tilespmem:s2], [sflag:$0x4] =	stream.strided.gather @!p0 [hbm4b:s0+s9], $0x18700, s19, s9, $0x38;
	[tilespmem:$0x1E700] =	vst v63  }
0x1f8: {  	p0 =	sne.s32 s28, $0xD;
	_ =	swait.ge [sflag:s24], $0x1000  }
.Ltmp8:
0x1f9: {  	[sflag:s24] =	ssyncset.done $0x0;
	(pc) =	sbr.rel @p0 .LBB2_2-.Ltmp8, $4  }
0x1fa: {  	[sflag:s24] =	ssyncadd.s32 $0xFFFFF000  }
0x1fb: {  	_ =	swait.ge [sflag:s25], $0x1000  }
0x1fc: {  	[sflag:s25] =	ssyncset.done $0x0  }
0x1fd: {  	[sflag:s25] =	ssyncadd.s32 $0xFFFFF000  }
0x1fe: {  	s26 =	sadd.s32 $0x1, s26  }
0x1ff: {  	p0 =	sne.s32 s26, s16  }
.Ltmp9:
0x200: {  	_ = 	snop;
	(pc) =	sbr.rel @p0 .LBB2_1-.Ltmp9, $1  }
0x201: {  	_ =	sdelay $0x3  }
0x202: {  	_ =	sfence.sel $0x180000  }
0x203: {  	[bflag:$0x0] =	sbarrier.arrive $0xFFFF  }
0x204: {  	_ =	strace $0x90000047  }
0x205: {  	s0 =	stileid.u32;
	[bflag:$0x2] =	sbarrier.arrive $0xFFFF  }
0x206: {  	p0 =	sne.s32 s0, $0x0;
	s0 =	rddreg [dreg:$0x3]  }
0x207: {  	s0 =	sadd.s32 @!p0 $0x100000, s0  }
0x208: {  	[sflag:s0] =	ssyncadd.tile.s32 @!p0 $0x1;
	_ =	shalt  }
.Lfunc_end2:
_tile_overlayer_lowered:
.L_overlay_start_2:
0x209: {  	(tag) =	ssettag $0x2  }
0x20a: {  	s0 =	rddreg [dreg:$0x0];
	s2 =	stileid.u32  }
0x20b: {  	s1 =	rddreg [dreg:$0x1];
	p0 =	sne.s32 s2, $0x0  }
0x20c: {  	s3 =	rddreg [dreg:$0x2];
	[bflag:$0x3] =	sbarrier.arrive $0xFFFF;
	s2 =	simm.s32 @!p0 $0x1C05  }
0x20d: {  	[timem:s3], [sflag:s2] =	dma.local @!p0 [hbm:s0], s1  }
0x20e: {  	s0 =	simm.s32 @!p0 $0x5  }
0x20f: {  	_ =	swait.ge @!p0 [sflag:s0], s1  }
0x210: {  	s1 =	ssub.s32 @!p0 $0x0, s1;
	[sflag:s0] =	ssyncset.done @!p0 $0x0  }
0x211: {  	[sflag:s0] =	ssyncadd.s32 @!p0 s1  }
0x212: {  	[bflag:$0x3] =	sbarrier.arrive $0xFFFF  }
0x213: {  	_ =	shalt  }

</sc_bundles>
